<compile_context>
chip_gen: v7x
topology: tpu7x:2x2x1
jax: 0.10.2.dev20260603
libtpu: 0.0.44.dev20260713+nightly
codegen_flags: <defaults>
</compile_context>

<pallas_src>
import functools

import jax
import jax.numpy as jnp
from jax import lax
from jax.experimental import pallas as pl
from jax.experimental.pallas import tpu as pltpu
from jax.experimental.pallas import tpu_sc as plsc

B, L, V, D = 16384, 200, 1000000, 64
NC, NS = 2, 16
NW = NC * NS
BPW = B // NW
C = 2
R = C * L
NCH = BPW // C
OUTROWS = 64
FLUSH = OUTROWS // C
STRIP = R
STRIPS = []
_off = 0
while _off < R:
    n = min(STRIP, R - _off)
    STRIPS.append((_off, n))
    _off += n

_KCOLS = D // 16


NBUF = 4


def _sc_bow_kernel(emb_hbm, xflat_hbm, out_hbm,
                   idx0, idx1, idx2, idx3,
                   rows0, rows1, rows2, rows3, outv,
                   is0, is1, is2, is3, rs0, rs1, rs2, rs3):
    cid = lax.axis_index("c")
    sid = lax.axis_index("s")
    wid = sid * NC + cid
    base = wid * BPW

    idxb = [idx0, idx1, idx2, idx3]
    rowsb = [rows0, rows1, rows2, rows3]
    isem = [is0, is1, is2, is3]
    rsem = [rs0, rs1, rs2, rs3]

    def idx_start(g, b):
        start = pl.multiple_of((base + g * C) * L, R)
        pltpu.async_copy(xflat_hbm.at[pl.ds(start, R)], idxb[b], isem[b])

    def idx_wait(b):
        pltpu.make_async_copy(xflat_hbm.at[pl.ds(0, R)], idxb[b],
                              isem[b]).wait()

    def gathers_start(b):
        for (off, n) in STRIPS:
            pltpu.async_copy(emb_hbm.at[idxb[b].at[pl.ds(off, n)]],
                             rowsb[b].at[pl.ds(off, n)], rsem[b])

    def gathers_wait(b):
        for (off, n) in STRIPS:
            pltpu.make_async_copy(emb_hbm.at[idxb[b].at[pl.ds(off, n)]],
                                  rowsb[b].at[pl.ds(off, n)],
                                  rsem[b]).wait()

    def accumulate(g, b):
        rv = rowsb[b]
        zeros = tuple(jnp.zeros((16,), jnp.float32)
                      for _ in range(C * _KCOLS))

        @plsc.parallel_loop(0, L, step=1, unroll=8, carry=zeros)
        def acc(l, a):
            new = []
            for r in range(C):
                for k in range(_KCOLS):
                    v = rv[r * L + l, pl.ds(k * 16, 16)]
                    new.append(a[r * _KCOLS + k] + v)
            return tuple(new)
        orow0 = (g % FLUSH) * C
        for r in range(C):
            for k in range(_KCOLS):
                outv[orow0 + r, pl.ds(k * 16, 16)] = acc[r * _KCOLS + k]

    for j in range(NBUF - 1):
        idx_start(j, j)
        idx_wait(j)
        gathers_start(j)
    idx_start(NBUF - 1, NBUF - 1)

    def outer(i, _):
        for b in range(NBUF):
            g = i * NBUF + b
            gathers_wait(b)

            bn = (b + NBUF - 1) % NBUF

            @pl.when(g + NBUF - 1 < NCH)
            def _():
                idx_wait(bn)
                gathers_start(bn)

            @pl.when(g + NBUF < NCH)
            def _():
                idx_start(g + NBUF, b)

            accumulate(g, b)

            @pl.when(g % FLUSH == FLUSH - 1)
            def _():
                first = pl.multiple_of(base + (g + 1 - FLUSH) * C, OUTROWS)
                pltpu.sync_copy(outv, out_hbm.at[pl.ds(first, OUTROWS)])
        return 0

    lax.fori_loop(0, NCH // NBUF, outer, 0)


@jax.jit
def _sc_bow(emb, xflat):
    mesh = plsc.VectorSubcoreMesh(core_axis_name="c", subcore_axis_name="s",
                                  num_cores=NC, num_subcores=NS)
    f = pl.kernel(
        _sc_bow_kernel,
        out_type=jax.ShapeDtypeStruct((B, D), jnp.float32),
        mesh=mesh,
        scratch_types=(
            [pltpu.VMEM((R,), jnp.int32) for _ in range(NBUF)]
            + [pltpu.VMEM((R, D), jnp.float32) for _ in range(NBUF)]
            + [pltpu.VMEM((OUTROWS, D), jnp.float32)]
            + [pltpu.SemaphoreType.DMA for _ in range(2 * NBUF)]
        ),
        compiler_params=pltpu.CompilerParams(use_tc_tiling_on_sc=False),
    )
    return f(emb, xflat)


def _tc_head_kernel(sums_ref, t_ref, W1_ref, b1_ref, gamma_ref, beta_ref,
                    W2_ref, b2_ref, logits_ref, loss_ref):
    bow = sums_ref[...] * (1.0 / L)
    h = lax.dot_general(bow, W1_ref[...], (((1,), (1,)), ((), ())),
                        preferred_element_type=jnp.float32) + b1_ref[...]
    mu = jnp.mean(h, axis=0, keepdims=True)
    d = h - mu
    var = jnp.mean(d * d, axis=0, keepdims=True)
    hn = d * lax.rsqrt(var + 1e-5) * gamma_ref[...] + beta_ref[...]
    hr = jnp.maximum(hn, 0.0)
    logits = lax.dot_general(hr, W2_ref[...], (((1,), (0,)), ((), ())),
                             preferred_element_type=jnp.float32) + b2_ref[...]
    logits_ref[...] = logits
    t = t_ref[...]
    lv = (jnp.maximum(logits, 0.0) - logits * t
          + jnp.log1p(jnp.exp(-jnp.abs(logits))))
    loss_ref[...] = jnp.broadcast_to(jnp.mean(lv), (1, 1))


@jax.jit
def _tc_head(sums, t, W1, b1, gamma, beta, W2, b2):
    return pl.pallas_call(
        _tc_head_kernel,
        out_shape=(
            jax.ShapeDtypeStruct((B, 1), jnp.float32),
            jax.ShapeDtypeStruct((1, 1), jnp.float32),
        ),
    )(sums, t.reshape(B, 1), W1, b1.reshape(1, D), gamma.reshape(1, D),
      beta.reshape(1, D), W2, b2.reshape(1, 1))


def kernel(x, t, emb, W1, b1, gamma, beta, W2, b2):
    xflat = x.astype(jnp.int32).reshape(B * L)
    sums = _sc_bow(emb, xflat)
    logits2, loss2 = _tc_head(sums, t, W1, b1, gamma, beta, W2, b2)
    return (loss2[0, 0], logits2[:, 0])

# --- scband reference (transcript-rebuilt; emitter-appended) ---
"""Pipeline reference for scband-bow-model-5815385719098 (READ-ONLY COPY).

The authoritative reference and input builder live on the scoring server;
editing this copy changes nothing except your own understanding.
"""

import jax, jax.numpy as jnp
import numpy as np

B, L, V, D = 16384, 200, 1000000, 64

def setup_inputs(seed: int = 0):
    key = jax.random.key(seed)
    ks = jax.random.split(key, 9)
    x = jax.random.randint(ks[0], (B, L), 0, V)
    t = jax.random.uniform(ks[1], (B,), dtype=jnp.float32)
    emb = jax.random.normal(ks[2], (V, D), dtype=jnp.float32) * 0.02
    W1 = jax.random.normal(ks[3], (D, D), dtype=jnp.float32) * (1.0 / np.sqrt(D))
    b1 = jnp.zeros((D,), dtype=jnp.float32)
    gamma = jnp.ones((D,), dtype=jnp.float32)
    beta = jnp.zeros((D,), dtype=jnp.float32)
    W2 = jax.random.normal(ks[4], (D, 1), dtype=jnp.float32) * (1.0 / np.sqrt(D))
    b2 = jnp.zeros((1,), dtype=jnp.float32)
    return {"x": x, "t": t, "emb": emb, "W1": W1, "b1": b1, "gamma": gamma, "beta": beta, "W2": W2, "b2": b2}

def reference(x, t, emb, W1, b1, gamma, beta, W2, b2):
    # BOW embedding: gather rows from table, mean over sequence dim
    e = jnp.take(emb, x, axis=0)          # [B, L, D] gather
    bow = jnp.mean(e, axis=1)             # [B, D]
    # fc_hidden
    h = bow @ W1.T + b1
    # BatchNorm1d (training-mode batch statistics, eps=1e-5, biased variance)
    mu = jnp.mean(h, axis=0)
    var = jnp.mean((h - mu) ** 2, axis=0)
    h = (h - mu) / jnp.sqrt(var + 1e-5) * gamma + beta
    h = jax.nn.relu(h)
    # dropout(p=0.5) is identity in deterministic/eval mode
    logits = (h @ W2 + b2)[:, 0]          # [B]
    # BCEWithLogitsLoss (mean reduction), numerically stable form
    loss = jnp.mean(jnp.maximum(logits, 0.0) - logits * t + jnp.log1p(jnp.exp(-jnp.abs(logits))))
    return (loss, logits)

if __name__ == "__main__":
    import jax
    _d = setup_inputs()
    print(jax.jit(kernel)(*tuple(_d.values())))

</pallas_src>

<mosaic_0001>
#map = affine_map<(d0, d1) -> (0, 0)>
#map1 = affine_map<(d0, d1) -> (0)>
module attributes {stable_mosaic.version = 14 : i64} {
  func.func @_sc_bow_kernel(%arg0: i32, %arg1: i32, %arg2: memref<1000000x64xf32, #tpu.memory_space<hbm>>, %arg3: memref<3276800xi32, #tpu.memory_space<hbm>>, %arg4: memref<16384x64xf32, #tpu.memory_space<hbm>>, %arg5: memref<400xi32, #tpu.memory_space<vmem>>, %arg6: memref<400xi32, #tpu.memory_space<vmem>>, %arg7: memref<400xi32, #tpu.memory_space<vmem>>, %arg8: memref<400xi32, #tpu.memory_space<vmem>>, %arg9: memref<400x64xf32, #tpu.memory_space<vmem>>, %arg10: memref<400x64xf32, #tpu.memory_space<vmem>>, %arg11: memref<400x64xf32, #tpu.memory_space<vmem>>, %arg12: memref<400x64xf32, #tpu.memory_space<vmem>>, %arg13: memref<64x64xf32, #tpu.memory_space<vmem>>, %arg14: memref<!tpu.dma_semaphore, #tpu.memory_space<semaphore_mem>>, %arg15: memref<!tpu.dma_semaphore, #tpu.memory_space<semaphore_mem>>, %arg16: memref<!tpu.dma_semaphore, #tpu.memory_space<semaphore_mem>>, %arg17: memref<!tpu.dma_semaphore, #tpu.memory_space<semaphore_mem>>, %arg18: memref<!tpu.dma_semaphore, #tpu.memory_space<semaphore_mem>>, %arg19: memref<!tpu.dma_semaphore, #tpu.memory_space<semaphore_mem>>, %arg20: memref<!tpu.dma_semaphore, #tpu.memory_space<semaphore_mem>>, %arg21: memref<!tpu.dma_semaphore, #tpu.memory_space<semaphore_mem>>) attributes {dimension_semantics = [#tpu.dimension_semantics<core_parallel>, #tpu.dimension_semantics<subcore_parallel>], iteration_bounds = array<i64: 2, 16>, scalar_prefetch = 0 : i64, scratch_operands = 17 : i64, tpu.core_type = #tpu.core_type<sc_vector_subcore>, window_params = [{transform_indices = #map}, {transform_indices = #map1}, {transform_indices = #map}]} {
    %mul3A = arith.constant 2 : i32
    %mul3A_0 = arith.muli %arg1, %mul3A : i32
    %add3A = arith.addi %mul3A_0, %arg0 : i32
    %mul3A_1 = arith.constant 512 : i32
    %mul3A_2 = arith.muli %add3A, %mul3A_1 : i32
    %add3A_3 = arith.constant 0 : i32
    %add3A_4 = arith.addi %mul3A_2, %add3A_3 : i32
    %mul3A_5 = arith.constant 200 : i32
    %mul3A_6 = arith.muli %add3A_4, %mul3A_5 : i32
    %multiple_of3A = tpu.assume_multiple %mul3A_6, 400 : i32
    %dma_start3A = tpu.memref_slice %arg3[%multiple_of3A] : memref<3276800xi32, #tpu.memory_space<hbm>> -> memref<400xi32, #tpu.memory_space<hbm>>
    %dma_start3A_7 = tpu.memref_slice %arg3[%multiple_of3A] : memref<3276800xi32, #tpu.memory_space<hbm>> -> memref<400xi32, #tpu.memory_space<hbm>>
    tpu.enqueue_dma source(%dma_start3A_7 : memref<400xi32, #tpu.memory_space<hbm>>) target(%arg5 : memref<400xi32, #tpu.memory_space<vmem>>) target_semaphore(%arg14 : memref<!tpu.dma_semaphore, #tpu.memory_space<semaphore_mem>>)
    %dma_wait3A = arith.constant 0 : i32
    %dma_wait3A_8 = tpu.memref_slice %arg3[%dma_wait3A] : memref<3276800xi32, #tpu.memory_space<hbm>> -> memref<400xi32, #tpu.memory_space<hbm>>
    %dma_wait3A_9 = arith.constant 0 : i32
    %dma_wait3A_10 = tpu.memref_slice %arg3[%dma_wait3A_9] : memref<3276800xi32, #tpu.memory_space<hbm>> -> memref<400xi32, #tpu.memory_space<hbm>>
    tpu.wait_dma2 semaphore(%arg14 : memref<!tpu.dma_semaphore, #tpu.memory_space<semaphore_mem>>) src(%dma_wait3A_10 : memref<400xi32, #tpu.memory_space<hbm>>) dst(%arg5 : memref<400xi32, #tpu.memory_space<vmem>>)
    %dma_start3A_11 = arith.constant 0 : i32
    %dma_start3A_12 = arith.constant 0 : i32
    %dma_start3A_13 = tpu.memref_slice %arg9[%dma_start3A_11, %dma_start3A_12] : memref<400x64xf32, #tpu.memory_space<vmem>> -> memref<400x64xf32, #tpu.memory_space<vmem>>
    %dma_start3A_14 = arith.constant 0 : i32
    %dma_start3A_15 = tpu.memref_slice %arg5[%dma_start3A_14] : memref<400xi32, #tpu.memory_space<vmem>> -> memref<400xi32, #tpu.memory_space<vmem>>
    %dma_start3A_16 = arith.constant 0 : i32
    %dma_start3A_17 = arith.constant 0 : i32
    %dma_start3A_18 = tpu.memref_slice %arg2[%dma_start3A_16, %dma_start3A_17] : memref<1000000x64xf32, #tpu.memory_space<hbm>> -> memref<1000000x64xf32, #tpu.memory_space<hbm>>
    tpu.enqueue_indirect_dma source(%dma_start3A_18 : memref<1000000x64xf32, #tpu.memory_space<hbm>>) target(%dma_start3A_13 : memref<400x64xf32, #tpu.memory_space<vmem>>) offsets(%dma_start3A_15 : memref<400xi32, #tpu.memory_space<vmem>>) semaphore(%arg18 : memref<!tpu.dma_semaphore, #tpu.memory_space<semaphore_mem>>)
    %add3A_19 = arith.constant 2 : i32
    %add3A_20 = arith.addi %mul3A_2, %add3A_19 : i32
    %mul3A_21 = arith.constant 200 : i32
    %mul3A_22 = arith.muli %add3A_20, %mul3A_21 : i32
    %multiple_of3A_23 = tpu.assume_multiple %mul3A_22, 400 : i32
    %dma_start3A_24 = tpu.memref_slice %arg3[%multiple_of3A_23] : memref<3276800xi32, #tpu.memory_space<hbm>> -> memref<400xi32, #tpu.memory_space<hbm>>
    %dma_start3A_25 = tpu.memref_slice %arg3[%multiple_of3A_23] : memref<3276800xi32, #tpu.memory_space<hbm>> -> memref<400xi32, #tpu.memory_space<hbm>>
    tpu.enqueue_dma source(%dma_start3A_25 : memref<400xi32, #tpu.memory_space<hbm>>) target(%arg6 : memref<400xi32, #tpu.memory_space<vmem>>) target_semaphore(%arg15 : memref<!tpu.dma_semaphore, #tpu.memory_space<semaphore_mem>>)
    %dma_wait3A_26 = arith.constant 0 : i32
    %dma_wait3A_27 = tpu.memref_slice %arg3[%dma_wait3A_26] : memref<3276800xi32, #tpu.memory_space<hbm>> -> memref<400xi32, #tpu.memory_space<hbm>>
    %dma_wait3A_28 = arith.constant 0 : i32
    %dma_wait3A_29 = tpu.memref_slice %arg3[%dma_wait3A_28] : memref<3276800xi32, #tpu.memory_space<hbm>> -> memref<400xi32, #tpu.memory_space<hbm>>
    tpu.wait_dma2 semaphore(%arg15 : memref<!tpu.dma_semaphore, #tpu.memory_space<semaphore_mem>>) src(%dma_wait3A_29 : memref<400xi32, #tpu.memory_space<hbm>>) dst(%arg6 : memref<400xi32, #tpu.memory_space<vmem>>)
    %dma_start3A_30 = arith.constant 0 : i32
    %dma_start3A_31 = arith.constant 0 : i32
    %dma_start3A_32 = tpu.memref_slice %arg10[%dma_start3A_30, %dma_start3A_31] : memref<400x64xf32, #tpu.memory_space<vmem>> -> memref<400x64xf32, #tpu.memory_space<vmem>>
    %dma_start3A_33 = arith.constant 0 : i32
    %dma_start3A_34 = tpu.memref_slice %arg6[%dma_start3A_33] : memref<400xi32, #tpu.memory_space<vmem>> -> memref<400xi32, #tpu.memory_space<vmem>>
    %dma_start3A_35 = arith.constant 0 : i32
    %dma_start3A_36 = arith.constant 0 : i32
    %dma_start3A_37 = tpu.memref_slice %arg2[%dma_start3A_35, %dma_start3A_36] : memref<1000000x64xf32, #tpu.memory_space<hbm>> -> memref<1000000x64xf32, #tpu.memory_space<hbm>>
    tpu.enqueue_indirect_dma source(%dma_start3A_37 : memref<1000000x64xf32, #tpu.memory_space<hbm>>) target(%dma_start3A_32 : memref<400x64xf32, #tpu.memory_space<vmem>>) offsets(%dma_start3A_34 : memref<400xi32, #tpu.memory_space<vmem>>) semaphore(%arg19 : memref<!tpu.dma_semaphore, #tpu.memory_space<semaphore_mem>>)
    %add3A_38 = arith.constant 4 : i32
    %add3A_39 = arith.addi %mul3A_2, %add3A_38 : i32
    %mul3A_40 = arith.constant 200 : i32
    %mul3A_41 = arith.muli %add3A_39, %mul3A_40 : i32
    %multiple_of3A_42 = tpu.assume_multiple %mul3A_41, 400 : i32
    %dma_start3A_43 = tpu.memref_slice %arg3[%multiple_of3A_42] : memref<3276800xi32, #tpu.memory_space<hbm>> -> memref<400xi32, #tpu.memory_space<hbm>>
    %dma_start3A_44 = tpu.memref_slice %arg3[%multiple_of3A_42] : memref<3276800xi32, #tpu.memory_space<hbm>> -> memref<400xi32, #tpu.memory_space<hbm>>
    tpu.enqueue_dma source(%dma_start3A_44 : memref<400xi32, #tpu.memory_space<hbm>>) target(%arg7 : memref<400xi32, #tpu.memory_space<vmem>>) target_semaphore(%arg16 : memref<!tpu.dma_semaphore, #tpu.memory_space<semaphore_mem>>)
    %dma_wait3A_45 = arith.constant 0 : i32
    %dma_wait3A_46 = tpu.memref_slice %arg3[%dma_wait3A_45] : memref<3276800xi32, #tpu.memory_space<hbm>> -> memref<400xi32, #tpu.memory_space<hbm>>
    %dma_wait3A_47 = arith.constant 0 : i32
    %dma_wait3A_48 = tpu.memref_slice %arg3[%dma_wait3A_47] : memref<3276800xi32, #tpu.memory_space<hbm>> -> memref<400xi32, #tpu.memory_space<hbm>>
    tpu.wait_dma2 semaphore(%arg16 : memref<!tpu.dma_semaphore, #tpu.memory_space<semaphore_mem>>) src(%dma_wait3A_48 : memref<400xi32, #tpu.memory_space<hbm>>) dst(%arg7 : memref<400xi32, #tpu.memory_space<vmem>>)
    %dma_start3A_49 = arith.constant 0 : i32
    %dma_start3A_50 = arith.constant 0 : i32
    %dma_start3A_51 = tpu.memref_slice %arg11[%dma_start3A_49, %dma_start3A_50] : memref<400x64xf32, #tpu.memory_space<vmem>> -> memref<400x64xf32, #tpu.memory_space<vmem>>
    %dma_start3A_52 = arith.constant 0 : i32
    %dma_start3A_53 = tpu.memref_slice %arg7[%dma_start3A_52] : memref<400xi32, #tpu.memory_space<vmem>> -> memref<400xi32, #tpu.memory_space<vmem>>
    %dma_start3A_54 = arith.constant 0 : i32
    %dma_start3A_55 = arith.constant 0 : i32
    %dma_start3A_56 = tpu.memref_slice %arg2[%dma_start3A_54, %dma_start3A_55] : memref<1000000x64xf32, #tpu.memory_space<hbm>> -> memref<1000000x64xf32, #tpu.memory_space<hbm>>
    tpu.enqueue_indirect_dma source(%dma_start3A_56 : memref<1000000x64xf32, #tpu.memory_space<hbm>>) target(%dma_start3A_51 : memref<400x64xf32, #tpu.memory_space<vmem>>) offsets(%dma_start3A_53 : memref<400xi32, #tpu.memory_space<vmem>>) semaphore(%arg20 : memref<!tpu.dma_semaphore, #tpu.memory_space<semaphore_mem>>)
    %add3A_57 = arith.constant 6 : i32
    %add3A_58 = arith.addi %mul3A_2, %add3A_57 : i32
    %mul3A_59 = arith.constant 200 : i32
    %mul3A_60 = arith.muli %add3A_58, %mul3A_59 : i32
    %multiple_of3A_61 = tpu.assume_multiple %mul3A_60, 400 : i32
    %dma_start3A_62 = tpu.memref_slice %arg3[%multiple_of3A_61] : memref<3276800xi32, #tpu.memory_space<hbm>> -> memref<400xi32, #tpu.memory_space<hbm>>
    %dma_start3A_63 = tpu.memref_slice %arg3[%multiple_of3A_61] : memref<3276800xi32, #tpu.memory_space<hbm>> -> memref<400xi32, #tpu.memory_space<hbm>>
    tpu.enqueue_dma source(%dma_start3A_63 : memref<400xi32, #tpu.memory_space<hbm>>) target(%arg8 : memref<400xi32, #tpu.memory_space<vmem>>) target_semaphore(%arg17 : memref<!tpu.dma_semaphore, #tpu.memory_space<semaphore_mem>>)
    %scan3A = arith.constant 0 : i32
    %scan3A_64 = arith.constant 0 : i32
    %scan3A_65 = arith.constant 64 : i32
    %scan3A_66 = arith.addi %scan3A_64, %scan3A_65 : i32
    %scan3A_67 = arith.constant 1 : i32
    %scan3A_68 = scf.for %scan3A_70 = %scan3A_64 to %scan3A_66 step %scan3A_67 iter_args(%scan3A_71 = %scan3A) -> (i32)  : i32 {
      %mul3A_72 = arith.constant 4 : i32
      %mul3A_73 = arith.muli %scan3A_70, %mul3A_72 : i32
      %add3A_74 = arith.constant 0 : i32
      %add3A_75 = arith.addi %mul3A_73, %add3A_74 : i32
      %dma_wait3A_76 = arith.constant 0 : i32
      %dma_wait3A_77 = arith.constant 0 : i32
      %dma_wait3A_78 = tpu.memref_slice %arg9[%dma_wait3A_76, %dma_wait3A_77] : memref<400x64xf32, #tpu.memory_space<vmem>> -> memref<400x64xf32, #tpu.memory_space<vmem>>
      %dma_wait3A_79 = arith.constant 0 : i32
      %dma_wait3A_80 = tpu.memref_slice %arg5[%dma_wait3A_79] : memref<400xi32, #tpu.memory_space<vmem>> -> memref<400xi32, #tpu.memory_space<vmem>>
      %dma_wait3A_81 = arith.constant 0 : i32
      %dma_wait3A_82 = arith.constant 0 : i32
      %dma_wait3A_83 = tpu.memref_slice %arg2[%dma_wait3A_81, %dma_wait3A_82] : memref<1000000x64xf32, #tpu.memory_space<hbm>> -> memref<1000000x64xf32, #tpu.memory_space<hbm>>
      tpu.wait_indirect_dma semaphore(%arg18 : memref<!tpu.dma_semaphore, #tpu.memory_space<semaphore_mem>>) src(%dma_wait3A_83 : memref<1000000x64xf32, #tpu.memory_space<hbm>>) dst(%dma_wait3A_78 : memref<400x64xf32, #tpu.memory_space<vmem>>)
      %add3A_84 = arith.constant 4 : i32
      %add3A_85 = arith.addi %add3A_75, %add3A_84 : i32
      %sub3A = arith.constant 1 : i32
      %sub3A_86 = arith.subi %add3A_85, %sub3A : i32
      %lt3A = arith.constant 256 : i32
      %lt3A_87 = arith.cmpi slt, %sub3A_86, %lt3A : i32
      %convert_element_type3A = arith.extui %lt3A_87 : i1 to i32
      %cond3A = arith.constant 0 : i32
      %cond3A_88 = arith.cmpi ne, %convert_element_type3A, %cond3A : i32
      scf.if %cond3A_88 {
        %dma_wait3A_632 = arith.constant 0 : i32
        %dma_wait3A_633 = tpu.memref_slice %arg3[%dma_wait3A_632] : memref<3276800xi32, #tpu.memory_space<hbm>> -> memref<400xi32, #tpu.memory_space<hbm>>
        %dma_wait3A_634 = arith.constant 0 : i32
        %dma_wait3A_635 = tpu.memref_slice %arg3[%dma_wait3A_634] : memref<3276800xi32, #tpu.memory_space<hbm>> -> memref<400xi32, #tpu.memory_space<hbm>>
        tpu.wait_dma2 semaphore(%arg17 : memref<!tpu.dma_semaphore, #tpu.memory_space<semaphore_mem>>) src(%dma_wait3A_635 : memref<400xi32, #tpu.memory_space<hbm>>) dst(%arg8 : memref<400xi32, #tpu.memory_space<vmem>>)
        %dma_start3A_636 = arith.constant 0 : i32
        %dma_start3A_637 = arith.constant 0 : i32
        %dma_start3A_638 = tpu.memref_slice %arg12[%dma_start3A_636, %dma_start3A_637] : memref<400x64xf32, #tpu.memory_space<vmem>> -> memref<400x64xf32, #tpu.memory_space<vmem>>
        %dma_start3A_639 = arith.constant 0 : i32
        %dma_start3A_640 = tpu.memref_slice %arg8[%dma_start3A_639] : memref<400xi32, #tpu.memory_space<vmem>> -> memref<400xi32, #tpu.memory_space<vmem>>
        %dma_start3A_641 = arith.constant 0 : i32
        %dma_start3A_642 = arith.constant 0 : i32
        %dma_start3A_643 = tpu.memref_slice %arg2[%dma_start3A_641, %dma_start3A_642] : memref<1000000x64xf32, #tpu.memory_space<hbm>> -> memref<1000000x64xf32, #tpu.memory_space<hbm>>
        tpu.enqueue_indirect_dma source(%dma_start3A_643 : memref<1000000x64xf32, #tpu.memory_space<hbm>>) target(%dma_start3A_638 : memref<400x64xf32, #tpu.memory_space<vmem>>) offsets(%dma_start3A_640 : memref<400xi32, #tpu.memory_space<vmem>>) semaphore(%arg21 : memref<!tpu.dma_semaphore, #tpu.memory_space<semaphore_mem>>)
      } else {
      }
      %add3A_89 = arith.constant 4 : i32
      %add3A_90 = arith.addi %add3A_75, %add3A_89 : i32
      %lt3A_91 = arith.constant 256 : i32
      %lt3A_92 = arith.cmpi slt, %add3A_90, %lt3A_91 : i32
      %convert_element_type3A_93 = arith.extui %lt3A_92 : i1 to i32
      %cond3A_94 = arith.constant 0 : i32
      %cond3A_95 = arith.cmpi ne, %convert_element_type3A_93, %cond3A_94 : i32
      scf.if %cond3A_95 {
        %add3A_632 = arith.constant 4 : i32
        %add3A_633 = arith.addi %add3A_75, %add3A_632 : i32
        %mul3A_634 = arith.constant 2 : i32
        %mul3A_635 = arith.muli %add3A_633, %mul3A_634 : i32
        %add3A_636 = arith.addi %mul3A_2, %mul3A_635 : i32
        %mul3A_637 = arith.constant 200 : i32
        %mul3A_638 = arith.muli %add3A_636, %mul3A_637 : i32
        %multiple_of3A_639 = tpu.assume_multiple %mul3A_638, 400 : i32
        %dma_start3A_640 = tpu.memref_slice %arg3[%multiple_of3A_639] : memref<3276800xi32, #tpu.memory_space<hbm>> -> memref<400xi32, #tpu.memory_space<hbm>>
        %dma_start3A_641 = tpu.memref_slice %arg3[%multiple_of3A_639] : memref<3276800xi32, #tpu.memory_space<hbm>> -> memref<400xi32, #tpu.memory_space<hbm>>
        tpu.enqueue_dma source(%dma_start3A_641 : memref<400xi32, #tpu.memory_space<hbm>>) target(%arg5 : memref<400xi32, #tpu.memory_space<vmem>>) target_semaphore(%arg14 : memref<!tpu.dma_semaphore, #tpu.memory_space<semaphore_mem>>)
      } else {
      }
      %broadcast_in_dim3A = arith.constant 0.000000e+00 : f32
      %broadcast_in_dim3A_96 = vector.broadcast %broadcast_in_dim3A : f32 to vector<16xf32>
      %broadcast_in_dim3A_97 = arith.constant 0.000000e+00 : f32
      %broadcast_in_dim3A_98 = vector.broadcast %broadcast_in_dim3A_97 : f32 to vector<16xf32>
      %broadcast_in_dim3A_99 = arith.constant 0.000000e+00 : f32
      %broadcast_in_dim3A_100 = vector.broadcast %broadcast_in_dim3A_99 : f32 to vector<16xf32>
      %broadcast_in_dim3A_101 = arith.constant 0.000000e+00 : f32
      %broadcast_in_dim3A_102 = vector.broadcast %broadcast_in_dim3A_101 : f32 to vector<16xf32>
      %broadcast_in_dim3A_103 = arith.constant 0.000000e+00 : f32
      %broadcast_in_dim3A_104 = vector.broadcast %broadcast_in_dim3A_103 : f32 to vector<16xf32>
      %broadcast_in_dim3A_105 = arith.constant 0.000000e+00 : f32
      %broadcast_in_dim3A_106 = vector.broadcast %broadcast_in_dim3A_105 : f32 to vector<16xf32>
      %broadcast_in_dim3A_107 = arith.constant 0.000000e+00 : f32
      %broadcast_in_dim3A_108 = vector.broadcast %broadcast_in_dim3A_107 : f32 to vector<16xf32>
      %broadcast_in_dim3A_109 = arith.constant 0.000000e+00 : f32
      %broadcast_in_dim3A_110 = vector.broadcast %broadcast_in_dim3A_109 : f32 to vector<16xf32>
      %parallel_loop3A = arith.constant 0 : i32
      %parallel_loop3A_111 = arith.constant 200 : i32
      %parallel_loop3A_112 = arith.constant 1 : i32
      %parallel_loop3A_113:8 = scf.for %parallel_loop3A_632 = %parallel_loop3A to %parallel_loop3A_111 step %parallel_loop3A_112 iter_args(%parallel_loop3A_633 = %broadcast_in_dim3A_96, %parallel_loop3A_634 = %broadcast_in_dim3A_98, %parallel_loop3A_635 = %broadcast_in_dim3A_100, %parallel_loop3A_636 = %broadcast_in_dim3A_102, %parallel_loop3A_637 = %broadcast_in_dim3A_104, %parallel_loop3A_638 = %broadcast_in_dim3A_106, %parallel_loop3A_639 = %broadcast_in_dim3A_108, %parallel_loop3A_640 = %broadcast_in_dim3A_110) -> (vector<16xf32>, vector<16xf32>, vector<16xf32>, vector<16xf32>, vector<16xf32>, vector<16xf32>, vector<16xf32>, vector<16xf32>)  : i32 {
        %parallel_loop3A_641 = arith.constant 0 : i32
        %parallel_loop3A_642 = arith.addi %parallel_loop3A_641, %parallel_loop3A_632 : i32
        %parallel_loop3A_643 = arith.index_cast %parallel_loop3A_642 : i32 to index
        %parallel_loop3A_644 = arith.constant 0 : index
        %parallel_loop3A_645 = tpu.vector_load %arg9[%parallel_loop3A_643, %parallel_loop3A_644] {strides = array<i32>} : memref<400x64xf32, #tpu.memory_space<vmem>>, vector<1x16xf32>,
        %parallel_loop3A_646 = vector.shape_cast %parallel_loop3A_645 : vector<1x16xf32> to vector<16xf32>
        %parallel_loop3A_647 = arith.addf %parallel_loop3A_633, %parallel_loop3A_646 : vector<16xf32>
        %parallel_loop3A_648 = arith.constant 0 : i32
        %parallel_loop3A_649 = arith.addi %parallel_loop3A_648, %parallel_loop3A_632 : i32
        %parallel_loop3A_650 = arith.index_cast %parallel_loop3A_649 : i32 to index
        %parallel_loop3A_651 = arith.constant 16 : index
        %parallel_loop3A_652 = tpu.vector_load %arg9[%parallel_loop3A_650, %parallel_loop3A_651] {strides = array<i32>} : memref<400x64xf32, #tpu.memory_space<vmem>>, vector<1x16xf32>,
        %parallel_loop3A_653 = vector.shape_cast %parallel_loop3A_652 : vector<1x16xf32> to vector<16xf32>
        %parallel_loop3A_654 = arith.addf %parallel_loop3A_634, %parallel_loop3A_653 : vector<16xf32>
        %parallel_loop3A_655 = arith.constant 0 : i32
        %parallel_loop3A_656 = arith.addi %parallel_loop3A_655, %parallel_loop3A_632 : i32
        %parallel_loop3A_657 = arith.index_cast %parallel_loop3A_656 : i32 to index
        %parallel_loop3A_658 = arith.constant 32 : index
        %parallel_loop3A_659 = tpu.vector_load %arg9[%parallel_loop3A_657, %parallel_loop3A_658] {strides = array<i32>} : memref<400x64xf32, #tpu.memory_space<vmem>>, vector<1x16xf32>,
        %parallel_loop3A_660 = vector.shape_cast %parallel_loop3A_659 : vector<1x16xf32> to vector<16xf32>
        %parallel_loop3A_661 = arith.addf %parallel_loop3A_635, %parallel_loop3A_660 : vector<16xf32>
        %parallel_loop3A_662 = arith.constant 0 : i32
        %parallel_loop3A_663 = arith.addi %parallel_loop3A_662, %parallel_loop3A_632 : i32
        %parallel_loop3A_664 = arith.index_cast %parallel_loop3A_663 : i32 to index
        %parallel_loop3A_665 = arith.constant 48 : index
        %parallel_loop3A_666 = tpu.vector_load %arg9[%parallel_loop3A_664, %parallel_loop3A_665] {strides = array<i32>} : memref<400x64xf32, #tpu.memory_space<vmem>>, vector<1x16xf32>,
        %parallel_loop3A_667 = vector.shape_cast %parallel_loop3A_666 : vector<1x16xf32> to vector<16xf32>
        %parallel_loop3A_668 = arith.addf %parallel_loop3A_636, %parallel_loop3A_667 : vector<16xf32>
        %parallel_loop3A_669 = arith.constant 200 : i32
        %parallel_loop3A_670 = arith.addi %parallel_loop3A_669, %parallel_loop3A_632 : i32
        %parallel_loop3A_671 = arith.index_cast %parallel_loop3A_670 : i32 to index
        %parallel_loop3A_672 = arith.constant 0 : index
        %parallel_loop3A_673 = tpu.vector_load %arg9[%parallel_loop3A_671, %parallel_loop3A_672] {strides = array<i32>} : memref<400x64xf32, #tpu.memory_space<vmem>>, vector<1x16xf32>,
        %parallel_loop3A_674 = vector.shape_cast %parallel_loop3A_673 : vector<1x16xf32> to vector<16xf32>
        %parallel_loop3A_675 = arith.addf %parallel_loop3A_637, %parallel_loop3A_674 : vector<16xf32>
        %parallel_loop3A_676 = arith.constant 200 : i32
        %parallel_loop3A_677 = arith.addi %parallel_loop3A_676, %parallel_loop3A_632 : i32
        %parallel_loop3A_678 = arith.index_cast %parallel_loop3A_677 : i32 to index
        %parallel_loop3A_679 = arith.constant 16 : index
        %parallel_loop3A_680 = tpu.vector_load %arg9[%parallel_loop3A_678, %parallel_loop3A_679] {strides = array<i32>} : memref<400x64xf32, #tpu.memory_space<vmem>>, vector<1x16xf32>,
        %parallel_loop3A_681 = vector.shape_cast %parallel_loop3A_680 : vector<1x16xf32> to vector<16xf32>
        %parallel_loop3A_682 = arith.addf %parallel_loop3A_638, %parallel_loop3A_681 : vector<16xf32>
        %parallel_loop3A_683 = arith.constant 200 : i32
        %parallel_loop3A_684 = arith.addi %parallel_loop3A_683, %parallel_loop3A_632 : i32
        %parallel_loop3A_685 = arith.index_cast %parallel_loop3A_684 : i32 to index
        %parallel_loop3A_686 = arith.constant 32 : index
        %parallel_loop3A_687 = tpu.vector_load %arg9[%parallel_loop3A_685, %parallel_loop3A_686] {strides = array<i32>} : memref<400x64xf32, #tpu.memory_space<vmem>>, vector<1x16xf32>,
        %parallel_loop3A_688 = vector.shape_cast %parallel_loop3A_687 : vector<1x16xf32> to vector<16xf32>
        %parallel_loop3A_689 = arith.addf %parallel_loop3A_639, %parallel_loop3A_688 : vector<16xf32>
        %parallel_loop3A_690 = arith.constant 200 : i32
        %parallel_loop3A_691 = arith.addi %parallel_loop3A_690, %parallel_loop3A_632 : i32
        %parallel_loop3A_692 = arith.index_cast %parallel_loop3A_691 : i32 to index
        %parallel_loop3A_693 = arith.constant 48 : index
        %parallel_loop3A_694 = tpu.vector_load %arg9[%parallel_loop3A_692, %parallel_loop3A_693] {strides = array<i32>} : memref<400x64xf32, #tpu.memory_space<vmem>>, vector<1x16xf32>,
        %parallel_loop3A_695 = vector.shape_cast %parallel_loop3A_694 : vector<1x16xf32> to vector<16xf32>
        %parallel_loop3A_696 = arith.addf %parallel_loop3A_640, %parallel_loop3A_695 : vector<16xf32>
        scf.yield %parallel_loop3A_647, %parallel_loop3A_654, %parallel_loop3A_661, %parallel_loop3A_668, %parallel_loop3A_675, %parallel_loop3A_682, %parallel_loop3A_689, %parallel_loop3A_696 : vector<16xf32>, vector<16xf32>, vector<16xf32>, vector<16xf32>, vector<16xf32>, vector<16xf32>, vector<16xf32>, vector<16xf32>
      } {sc.loop_unroll_factor = 8 : i64, sc.parallel_access}
      %jit3A = arith.constant 32 : i32
      %eq3A = arith.constant 0 : i32
      %eq3A_114 = arith.cmpi eq, %jit3A, %eq3A : i32
      %jit3A_115 = arith.constant 1 : i32
      %select_n3A = arith.select %eq3A_114, %jit3A_115, %jit3A : i32
      %rem3A = arith.remsi %add3A_75, %select_n3A : i32
      %ne3A = arith.constant 0 : i32
      %ne3A_116 = arith.cmpi ne, %rem3A, %ne3A : i32
      %lt3A_117 = arith.constant 0 : i32
      %lt3A_118 = arith.cmpi slt, %rem3A, %lt3A_117 : i32
      %lt3A_119 = arith.constant 0 : i32
      %lt3A_120 = arith.cmpi slt, %select_n3A, %lt3A_119 : i32
      %ne3A_121 = arith.xori %lt3A_118, %lt3A_120 : i1
      %and3A = arith.andi %ne3A_121, %ne3A_116 : i1
      %add3A_122 = arith.addi %rem3A, %select_n3A : i32
      %select_n3A_123 = arith.select %and3A, %add3A_122, %rem3A : i32
      %mul3A_124 = arith.constant 2 : i32
      %mul3A_125 = arith.muli %select_n3A_123, %mul3A_124 : i32
      %add3A_126 = arith.constant 0 : i32
      %add3A_127 = arith.addi %mul3A_125, %add3A_126 : i32
      %swap3A = arith.index_cast %add3A_127 : i32 to index
      %swap3A_128 = arith.constant 0 : index
      %swap3A_129 = tpu.vector_load %arg13[%swap3A, %swap3A_128] {strides = array<i32>} : memref<64x64xf32, #tpu.memory_space<vmem>>, vector<1x16xf32>,
      %swap3A_130 = vector.shape_cast %swap3A_129 : vector<1x16xf32> to vector<16xf32>
      %swap3A_131 = vector.shape_cast %parallel_loop3A_113#0 : vector<16xf32> to vector<1x16xf32>
      tpu.vector_store %arg13[%swap3A, %swap3A_128], %swap3A_131 {strides = array<i32>} : memref<64x64xf32, #tpu.memory_space<vmem>>, vector<1x16xf32>,
      %add3A_132 = arith.constant 0 : i32
      %add3A_133 = arith.addi %mul3A_125, %add3A_132 : i32
      %swap3A_134 = arith.index_cast %add3A_133 : i32 to index
      %swap3A_135 = arith.constant 16 : index
      %swap3A_136 = tpu.vector_load %arg13[%swap3A_134, %swap3A_135] {strides = array<i32>} : memref<64x64xf32, #tpu.memory_space<vmem>>, vector<1x16xf32>,
      %swap3A_137 = vector.shape_cast %swap3A_136 : vector<1x16xf32> to vector<16xf32>
      %swap3A_138 = vector.shape_cast %parallel_loop3A_113#1 : vector<16xf32> to vector<1x16xf32>
      tpu.vector_store %arg13[%swap3A_134, %swap3A_135], %swap3A_138 {strides = array<i32>} : memref<64x64xf32, #tpu.memory_space<vmem>>, vector<1x16xf32>,
      %add3A_139 = arith.constant 0 : i32
      %add3A_140 = arith.addi %mul3A_125, %add3A_139 : i32
      %swap3A_141 = arith.index_cast %add3A_140 : i32 to index
      %swap3A_142 = arith.constant 32 : index
      %swap3A_143 = tpu.vector_load %arg13[%swap3A_141, %swap3A_142] {strides = array<i32>} : memref<64x64xf32, #tpu.memory_space<vmem>>, vector<1x16xf32>,
      %swap3A_144 = vector.shape_cast %swap3A_143 : vector<1x16xf32> to vector<16xf32>
      %swap3A_145 = vector.shape_cast %parallel_loop3A_113#2 : vector<16xf32> to vector<1x16xf32>
      tpu.vector_store %arg13[%swap3A_141, %swap3A_142], %swap3A_145 {strides = array<i32>} : memref<64x64xf32, #tpu.memory_space<vmem>>, vector<1x16xf32>,
      %add3A_146 = arith.constant 0 : i32
      %add3A_147 = arith.addi %mul3A_125, %add3A_146 : i32
      %swap3A_148 = arith.index_cast %add3A_147 : i32 to index
      %swap3A_149 = arith.constant 48 : index
      %swap3A_150 = tpu.vector_load %arg13[%swap3A_148, %swap3A_149] {strides = array<i32>} : memref<64x64xf32, #tpu.memory_space<vmem>>, vector<1x16xf32>,
      %swap3A_151 = vector.shape_cast %swap3A_150 : vector<1x16xf32> to vector<16xf32>
      %swap3A_152 = vector.shape_cast %parallel_loop3A_113#3 : vector<16xf32> to vector<1x16xf32>
      tpu.vector_store %arg13[%swap3A_148, %swap3A_149], %swap3A_152 {strides = array<i32>} : memref<64x64xf32, #tpu.memory_space<vmem>>, vector<1x16xf32>,
      %add3A_153 = arith.constant 1 : i32
      %add3A_154 = arith.addi %mul3A_125, %add3A_153 : i32
      %swap3A_155 = arith.index_cast %add3A_154 : i32 to index
      %swap3A_156 = arith.constant 0 : index
      %swap3A_157 = tpu.vector_load %arg13[%swap3A_155, %swap3A_156] {strides = array<i32>} : memref<64x64xf32, #tpu.memory_space<vmem>>, vector<1x16xf32>,
      %swap3A_158 = vector.shape_cast %swap3A_157 : vector<1x16xf32> to vector<16xf32>
      %swap3A_159 = vector.shape_cast %parallel_loop3A_113#4 : vector<16xf32> to vector<1x16xf32>
      tpu.vector_store %arg13[%swap3A_155, %swap3A_156], %swap3A_159 {strides = array<i32>} : memref<64x64xf32, #tpu.memory_space<vmem>>, vector<1x16xf32>,
      %add3A_160 = arith.constant 1 : i32
      %add3A_161 = arith.addi %mul3A_125, %add3A_160 : i32
      %swap3A_162 = arith.index_cast %add3A_161 : i32 to index
      %swap3A_163 = arith.constant 16 : index
      %swap3A_164 = tpu.vector_load %arg13[%swap3A_162, %swap3A_163] {strides = array<i32>} : memref<64x64xf32, #tpu.memory_space<vmem>>, vector<1x16xf32>,
      %swap3A_165 = vector.shape_cast %swap3A_164 : vector<1x16xf32> to vector<16xf32>
      %swap3A_166 = vector.shape_cast %parallel_loop3A_113#5 : vector<16xf32> to vector<1x16xf32>
      tpu.vector_store %arg13[%swap3A_162, %swap3A_163], %swap3A_166 {strides = array<i32>} : memref<64x64xf32, #tpu.memory_space<vmem>>, vector<1x16xf32>,
      %add3A_167 = arith.constant 1 : i32
      %add3A_168 = arith.addi %mul3A_125, %add3A_167 : i32
      %swap3A_169 = arith.index_cast %add3A_168 : i32 to index
      %swap3A_170 = arith.constant 32 : index
      %swap3A_171 = tpu.vector_load %arg13[%swap3A_169, %swap3A_170] {strides = array<i32>} : memref<64x64xf32, #tpu.memory_space<vmem>>, vector<1x16xf32>,
      %swap3A_172 = vector.shape_cast %swap3A_171 : vector<1x16xf32> to vector<16xf32>
      %swap3A_173 = vector.shape_cast %parallel_loop3A_113#6 : vector<16xf32> to vector<1x16xf32>
      tpu.vector_store %arg13[%swap3A_169, %swap3A_170], %swap3A_173 {strides = array<i32>} : memref<64x64xf32, #tpu.memory_space<vmem>>, vector<1x16xf32>,
      %add3A_174 = arith.constant 1 : i32
      %add3A_175 = arith.addi %mul3A_125, %add3A_174 : i32
      %swap3A_176 = arith.index_cast %add3A_175 : i32 to index
      %swap3A_177 = arith.constant 48 : index
      %swap3A_178 = tpu.vector_load %arg13[%swap3A_176, %swap3A_177] {strides = array<i32>} : memref<64x64xf32, #tpu.memory_space<vmem>>, vector<1x16xf32>,
      %swap3A_179 = vector.shape_cast %swap3A_178 : vector<1x16xf32> to vector<16xf32>
      %swap3A_180 = vector.shape_cast %parallel_loop3A_113#7 : vector<16xf32> to vector<1x16xf32>
      tpu.vector_store %arg13[%swap3A_176, %swap3A_177], %swap3A_180 {strides = array<i32>} : memref<64x64xf32, #tpu.memory_space<vmem>>, vector<1x16xf32>,
      %jit3A_181 = arith.constant 32 : i32
      %eq3A_182 = arith.constant 0 : i32
      %eq3A_183 = arith.cmpi eq, %jit3A_181, %eq3A_182 : i32
      %jit3A_184 = arith.constant 1 : i32
      %select_n3A_185 = arith.select %eq3A_183, %jit3A_184, %jit3A_181 : i32
      %rem3A_186 = arith.remsi %add3A_75, %select_n3A_185 : i32
      %ne3A_187 = arith.constant 0 : i32
      %ne3A_188 = arith.cmpi ne, %rem3A_186, %ne3A_187 : i32
      %lt3A_189 = arith.constant 0 : i32
      %lt3A_190 = arith.cmpi slt, %rem3A_186, %lt3A_189 : i32
      %lt3A_191 = arith.constant 0 : i32
      %lt3A_192 = arith.cmpi slt, %select_n3A_185, %lt3A_191 : i32
      %ne3A_193 = arith.xori %lt3A_190, %lt3A_192 : i1
      %and3A_194 = arith.andi %ne3A_193, %ne3A_188 : i1
      %add3A_195 = arith.addi %rem3A_186, %select_n3A_185 : i32
      %select_n3A_196 = arith.select %and3A_194, %add3A_195, %rem3A_186 : i32
      %eq3A_197 = arith.constant 31 : i32
      %eq3A_198 = arith.cmpi eq, %select_n3A_196, %eq3A_197 : i32
      %convert_element_type3A_199 = arith.extui %eq3A_198 : i1 to i32
      %cond3A_200 = arith.constant 0 : i32
      %cond3A_201 = arith.cmpi ne, %convert_element_type3A_199, %cond3A_200 : i32
      scf.if %cond3A_201 {
        %add3A_632 = arith.constant 1 : i32
        %add3A_633 = arith.addi %add3A_75, %add3A_632 : i32
        %sub3A_634 = arith.constant 32 : i32
        %sub3A_635 = arith.subi %add3A_633, %sub3A_634 : i32
        %mul3A_636 = arith.constant 2 : i32
        %mul3A_637 = arith.muli %sub3A_635, %mul3A_636 : i32
        %add3A_638 = arith.addi %mul3A_2, %mul3A_637 : i32
        %multiple_of3A_639 = tpu.assume_multiple %add3A_638, 64 : i32
        "tpu.region"() ({
          %run_scoped3A = tpu.sem_alloc : memref<!tpu.dma_semaphore, #tpu.memory_space<semaphore_mem>>
          %dma_start3A_640 = arith.constant 0 : i32
          %dma_start3A_641 = tpu.memref_slice %arg4[%multiple_of3A_639, %dma_start3A_640] : memref<16384x64xf32, #tpu.memory_space<hbm>> -> memref<64x64xf32, #tpu.memory_space<hbm>>
          %dma_start3A_642 = arith.constant 0 : i32
          %dma_start3A_643 = tpu.memref_slice %arg4[%multiple_of3A_639, %dma_start3A_642] : memref<16384x64xf32, #tpu.memory_space<hbm>> -> memref<64x64xf32, #tpu.memory_space<hbm>>
          tpu.enqueue_dma source(%arg13 : memref<64x64xf32, #tpu.memory_space<vmem>>) target(%dma_start3A_643 : memref<64x64xf32, #tpu.memory_space<hbm>>) target_semaphore(%run_scoped3A : memref<!tpu.dma_semaphore, #tpu.memory_space<semaphore_mem>>)
          %dma_wait3A_644 = arith.constant 0 : i32
          %dma_wait3A_645 = tpu.memref_slice %arg4[%multiple_of3A_639, %dma_wait3A_644] : memref<16384x64xf32, #tpu.memory_space<hbm>> -> memref<64x64xf32, #tpu.memory_space<hbm>>
          %dma_wait3A_646 = arith.constant 0 : i32
          %dma_wait3A_647 = tpu.memref_slice %arg4[%multiple_of3A_639, %dma_wait3A_646] : memref<16384x64xf32, #tpu.memory_space<hbm>> -> memref<64x64xf32, #tpu.memory_space<hbm>>
          tpu.wait_dma2 semaphore(%run_scoped3A : memref<!tpu.dma_semaphore, #tpu.memory_space<semaphore_mem>>) src(%arg13 : memref<64x64xf32, #tpu.memory_space<vmem>>) dst(%dma_wait3A_647 : memref<64x64xf32, #tpu.memory_space<hbm>>)
          tpu.yield
        }) : () -> ()
      } else {
      }
      %mul3A_202 = arith.constant 4 : i32
      %mul3A_203 = arith.muli %scan3A_70, %mul3A_202 : i32
      %add3A_204 = arith.constant 1 : i32
      %add3A_205 = arith.addi %mul3A_203, %add3A_204 : i32
      %dma_wait3A_206 = arith.constant 0 : i32
      %dma_wait3A_207 = arith.constant 0 : i32
      %dma_wait3A_208 = tpu.memref_slice %arg10[%dma_wait3A_206, %dma_wait3A_207] : memref<400x64xf32, #tpu.memory_space<vmem>> -> memref<400x64xf32, #tpu.memory_space<vmem>>
      %dma_wait3A_209 = arith.constant 0 : i32
      %dma_wait3A_210 = tpu.memref_slice %arg6[%dma_wait3A_209] : memref<400xi32, #tpu.memory_space<vmem>> -> memref<400xi32, #tpu.memory_space<vmem>>
      %dma_wait3A_211 = arith.constant 0 : i32
      %dma_wait3A_212 = arith.constant 0 : i32
      %dma_wait3A_213 = tpu.memref_slice %arg2[%dma_wait3A_211, %dma_wait3A_212] : memref<1000000x64xf32, #tpu.memory_space<hbm>> -> memref<1000000x64xf32, #tpu.memory_space<hbm>>
      tpu.wait_indirect_dma semaphore(%arg19 : memref<!tpu.dma_semaphore, #tpu.memory_space<semaphore_mem>>) src(%dma_wait3A_213 : memref<1000000x64xf32, #tpu.memory_space<hbm>>) dst(%dma_wait3A_208 : memref<400x64xf32, #tpu.memory_space<vmem>>)
      %add3A_214 = arith.constant 4 : i32
      %add3A_215 = arith.addi %add3A_205, %add3A_214 : i32
      %sub3A_216 = arith.constant 1 : i32
      %sub3A_217 = arith.subi %add3A_215, %sub3A_216 : i32
      %lt3A_218 = arith.constant 256 : i32
      %lt3A_219 = arith.cmpi slt, %sub3A_217, %lt3A_218 : i32
      %convert_element_type3A_220 = arith.extui %lt3A_219 : i1 to i32
      %cond3A_221 = arith.constant 0 : i32
      %cond3A_222 = arith.cmpi ne, %convert_element_type3A_220, %cond3A_221 : i32
      scf.if %cond3A_222 {
        %dma_wait3A_632 = arith.constant 0 : i32
        %dma_wait3A_633 = tpu.memref_slice %arg3[%dma_wait3A_632] : memref<3276800xi32, #tpu.memory_space<hbm>> -> memref<400xi32, #tpu.memory_space<hbm>>
        %dma_wait3A_634 = arith.constant 0 : i32
        %dma_wait3A_635 = tpu.memref_slice %arg3[%dma_wait3A_634] : memref<3276800xi32, #tpu.memory_space<hbm>> -> memref<400xi32, #tpu.memory_space<hbm>>
        tpu.wait_dma2 semaphore(%arg14 : memref<!tpu.dma_semaphore, #tpu.memory_space<semaphore_mem>>) src(%dma_wait3A_635 : memref<400xi32, #tpu.memory_space<hbm>>) dst(%arg5 : memref<400xi32, #tpu.memory_space<vmem>>)
        %dma_start3A_636 = arith.constant 0 : i32
        %dma_start3A_637 = arith.constant 0 : i32
        %dma_start3A_638 = tpu.memref_slice %arg9[%dma_start3A_636, %dma_start3A_637] : memref<400x64xf32, #tpu.memory_space<vmem>> -> memref<400x64xf32, #tpu.memory_space<vmem>>
        %dma_start3A_639 = arith.constant 0 : i32
        %dma_start3A_640 = tpu.memref_slice %arg5[%dma_start3A_639] : memref<400xi32, #tpu.memory_space<vmem>> -> memref<400xi32, #tpu.memory_space<vmem>>
        %dma_start3A_641 = arith.constant 0 : i32
        %dma_start3A_642 = arith.constant 0 : i32
        %dma_start3A_643 = tpu.memref_slice %arg2[%dma_start3A_641, %dma_start3A_642] : memref<1000000x64xf32, #tpu.memory_space<hbm>> -> memref<1000000x64xf32, #tpu.memory_space<hbm>>
        tpu.enqueue_indirect_dma source(%dma_start3A_643 : memref<1000000x64xf32, #tpu.memory_space<hbm>>) target(%dma_start3A_638 : memref<400x64xf32, #tpu.memory_space<vmem>>) offsets(%dma_start3A_640 : memref<400xi32, #tpu.memory_space<vmem>>) semaphore(%arg18 : memref<!tpu.dma_semaphore, #tpu.memory_space<semaphore_mem>>)
      } else {
      }
      %add3A_223 = arith.constant 4 : i32
      %add3A_224 = arith.addi %add3A_205, %add3A_223 : i32
      %lt3A_225 = arith.constant 256 : i32
      %lt3A_226 = arith.cmpi slt, %add3A_224, %lt3A_225 : i32
      %convert_element_type3A_227 = arith.extui %lt3A_226 : i1 to i32
      %cond3A_228 = arith.constant 0 : i32
      %cond3A_229 = arith.cmpi ne, %convert_element_type3A_227, %cond3A_228 : i32
      scf.if %cond3A_229 {
        %add3A_632 = arith.constant 4 : i32
        %add3A_633 = arith.addi %add3A_205, %add3A_632 : i32
        %mul3A_634 = arith.constant 2 : i32
        %mul3A_635 = arith.muli %add3A_633, %mul3A_634 : i32
        %add3A_636 = arith.addi %mul3A_2, %mul3A_635 : i32
        %mul3A_637 = arith.constant 200 : i32
        %mul3A_638 = arith.muli %add3A_636, %mul3A_637 : i32
        %multiple_of3A_639 = tpu.assume_multiple %mul3A_638, 400 : i32
        %dma_start3A_640 = tpu.memref_slice %arg3[%multiple_of3A_639] : memref<3276800xi32, #tpu.memory_space<hbm>> -> memref<400xi32, #tpu.memory_space<hbm>>
        %dma_start3A_641 = tpu.memref_slice %arg3[%multiple_of3A_639] : memref<3276800xi32, #tpu.memory_space<hbm>> -> memref<400xi32, #tpu.memory_space<hbm>>
        tpu.enqueue_dma source(%dma_start3A_641 : memref<400xi32, #tpu.memory_space<hbm>>) target(%arg6 : memref<400xi32, #tpu.memory_space<vmem>>) target_semaphore(%arg15 : memref<!tpu.dma_semaphore, #tpu.memory_space<semaphore_mem>>)
      } else {
      }
      %broadcast_in_dim3A_230 = arith.constant 0.000000e+00 : f32
      %broadcast_in_dim3A_231 = vector.broadcast %broadcast_in_dim3A_230 : f32 to vector<16xf32>
      %broadcast_in_dim3A_232 = arith.constant 0.000000e+00 : f32
      %broadcast_in_dim3A_233 = vector.broadcast %broadcast_in_dim3A_232 : f32 to vector<16xf32>
      %broadcast_in_dim3A_234 = arith.constant 0.000000e+00 : f32
      %broadcast_in_dim3A_235 = vector.broadcast %broadcast_in_dim3A_234 : f32 to vector<16xf32>
      %broadcast_in_dim3A_236 = arith.constant 0.000000e+00 : f32
      %broadcast_in_dim3A_237 = vector.broadcast %broadcast_in_dim3A_236 : f32 to vector<16xf32>
      %broadcast_in_dim3A_238 = arith.constant 0.000000e+00 : f32
      %broadcast_in_dim3A_239 = vector.broadcast %broadcast_in_dim3A_238 : f32 to vector<16xf32>
      %broadcast_in_dim3A_240 = arith.constant 0.000000e+00 : f32
      %broadcast_in_dim3A_241 = vector.broadcast %broadcast_in_dim3A_240 : f32 to vector<16xf32>
      %broadcast_in_dim3A_242 = arith.constant 0.000000e+00 : f32
      %broadcast_in_dim3A_243 = vector.broadcast %broadcast_in_dim3A_242 : f32 to vector<16xf32>
      %broadcast_in_dim3A_244 = arith.constant 0.000000e+00 : f32
      %broadcast_in_dim3A_245 = vector.broadcast %broadcast_in_dim3A_244 : f32 to vector<16xf32>
      %parallel_loop3A_246 = arith.constant 0 : i32
      %parallel_loop3A_247 = arith.constant 200 : i32
      %parallel_loop3A_248 = arith.constant 1 : i32
      %parallel_loop3A_249:8 = scf.for %parallel_loop3A_632 = %parallel_loop3A_246 to %parallel_loop3A_247 step %parallel_loop3A_248 iter_args(%parallel_loop3A_633 = %broadcast_in_dim3A_231, %parallel_loop3A_634 = %broadcast_in_dim3A_233, %parallel_loop3A_635 = %broadcast_in_dim3A_235, %parallel_loop3A_636 = %broadcast_in_dim3A_237, %parallel_loop3A_637 = %broadcast_in_dim3A_239, %parallel_loop3A_638 = %broadcast_in_dim3A_241, %parallel_loop3A_639 = %broadcast_in_dim3A_243, %parallel_loop3A_640 = %broadcast_in_dim3A_245) -> (vector<16xf32>, vector<16xf32>, vector<16xf32>, vector<16xf32>, vector<16xf32>, vector<16xf32>, vector<16xf32>, vector<16xf32>)  : i32 {
        %parallel_loop3A_641 = arith.constant 0 : i32
        %parallel_loop3A_642 = arith.addi %parallel_loop3A_641, %parallel_loop3A_632 : i32
        %parallel_loop3A_643 = arith.index_cast %parallel_loop3A_642 : i32 to index
        %parallel_loop3A_644 = arith.constant 0 : index
        %parallel_loop3A_645 = tpu.vector_load %arg10[%parallel_loop3A_643, %parallel_loop3A_644] {strides = array<i32>} : memref<400x64xf32, #tpu.memory_space<vmem>>, vector<1x16xf32>,
        %parallel_loop3A_646 = vector.shape_cast %parallel_loop3A_645 : vector<1x16xf32> to vector<16xf32>
        %parallel_loop3A_647 = arith.addf %parallel_loop3A_633, %parallel_loop3A_646 : vector<16xf32>
        %parallel_loop3A_648 = arith.constant 0 : i32
        %parallel_loop3A_649 = arith.addi %parallel_loop3A_648, %parallel_loop3A_632 : i32
        %parallel_loop3A_650 = arith.index_cast %parallel_loop3A_649 : i32 to index
        %parallel_loop3A_651 = arith.constant 16 : index
        %parallel_loop3A_652 = tpu.vector_load %arg10[%parallel_loop3A_650, %parallel_loop3A_651] {strides = array<i32>} : memref<400x64xf32, #tpu.memory_space<vmem>>, vector<1x16xf32>,
        %parallel_loop3A_653 = vector.shape_cast %parallel_loop3A_652 : vector<1x16xf32> to vector<16xf32>
        %parallel_loop3A_654 = arith.addf %parallel_loop3A_634, %parallel_loop3A_653 : vector<16xf32>
        %parallel_loop3A_655 = arith.constant 0 : i32
        %parallel_loop3A_656 = arith.addi %parallel_loop3A_655, %parallel_loop3A_632 : i32
        %parallel_loop3A_657 = arith.index_cast %parallel_loop3A_656 : i32 to index
        %parallel_loop3A_658 = arith.constant 32 : index
        %parallel_loop3A_659 = tpu.vector_load %arg10[%parallel_loop3A_657, %parallel_loop3A_658] {strides = array<i32>} : memref<400x64xf32, #tpu.memory_space<vmem>>, vector<1x16xf32>,
        %parallel_loop3A_660 = vector.shape_cast %parallel_loop3A_659 : vector<1x16xf32> to vector<16xf32>
        %parallel_loop3A_661 = arith.addf %parallel_loop3A_635, %parallel_loop3A_660 : vector<16xf32>
        %parallel_loop3A_662 = arith.constant 0 : i32
        %parallel_loop3A_663 = arith.addi %parallel_loop3A_662, %parallel_loop3A_632 : i32
        %parallel_loop3A_664 = arith.index_cast %parallel_loop3A_663 : i32 to index
        %parallel_loop3A_665 = arith.constant 48 : index
        %parallel_loop3A_666 = tpu.vector_load %arg10[%parallel_loop3A_664, %parallel_loop3A_665] {strides = array<i32>} : memref<400x64xf32, #tpu.memory_space<vmem>>, vector<1x16xf32>,
        %parallel_loop3A_667 = vector.shape_cast %parallel_loop3A_666 : vector<1x16xf32> to vector<16xf32>
        %parallel_loop3A_668 = arith.addf %parallel_loop3A_636, %parallel_loop3A_667 : vector<16xf32>
        %parallel_loop3A_669 = arith.constant 200 : i32
        %parallel_loop3A_670 = arith.addi %parallel_loop3A_669, %parallel_loop3A_632 : i32
        %parallel_loop3A_671 = arith.index_cast %parallel_loop3A_670 : i32 to index
        %parallel_loop3A_672 = arith.constant 0 : index
        %parallel_loop3A_673 = tpu.vector_load %arg10[%parallel_loop3A_671, %parallel_loop3A_672] {strides = array<i32>} : memref<400x64xf32, #tpu.memory_space<vmem>>, vector<1x16xf32>,
        %parallel_loop3A_674 = vector.shape_cast %parallel_loop3A_673 : vector<1x16xf32> to vector<16xf32>
        %parallel_loop3A_675 = arith.addf %parallel_loop3A_637, %parallel_loop3A_674 : vector<16xf32>
        %parallel_loop3A_676 = arith.constant 200 : i32
        %parallel_loop3A_677 = arith.addi %parallel_loop3A_676, %parallel_loop3A_632 : i32
        %parallel_loop3A_678 = arith.index_cast %parallel_loop3A_677 : i32 to index
        %parallel_loop3A_679 = arith.constant 16 : index
        %parallel_loop3A_680 = tpu.vector_load %arg10[%parallel_loop3A_678, %parallel_loop3A_679] {strides = array<i32>} : memref<400x64xf32, #tpu.memory_space<vmem>>, vector<1x16xf32>,
        %parallel_loop3A_681 = vector.shape_cast %parallel_loop3A_680 : vector<1x16xf32> to vector<16xf32>
        %parallel_loop3A_682 = arith.addf %parallel_loop3A_638, %parallel_loop3A_681 : vector<16xf32>
        %parallel_loop3A_683 = arith.constant 200 : i32
        %parallel_loop3A_684 = arith.addi %parallel_loop3A_683, %parallel_loop3A_632 : i32
        %parallel_loop3A_685 = arith.index_cast %parallel_loop3A_684 : i32 to index
        %parallel_loop3A_686 = arith.constant 32 : index
        %parallel_loop3A_687 = tpu.vector_load %arg10[%parallel_loop3A_685, %parallel_loop3A_686] {strides = array<i32>} : memref<400x64xf32, #tpu.memory_space<vmem>>, vector<1x16xf32>,
        %parallel_loop3A_688 = vector.shape_cast %parallel_loop3A_687 : vector<1x16xf32> to vector<16xf32>
        %parallel_loop3A_689 = arith.addf %parallel_loop3A_639, %parallel_loop3A_688 : vector<16xf32>
        %parallel_loop3A_690 = arith.constant 200 : i32
        %parallel_loop3A_691 = arith.addi %parallel_loop3A_690, %parallel_loop3A_632 : i32
        %parallel_loop3A_692 = arith.index_cast %parallel_loop3A_691 : i32 to index
        %parallel_loop3A_693 = arith.constant 48 : index
        %parallel_loop3A_694 = tpu.vector_load %arg10[%parallel_loop3A_692, %parallel_loop3A_693] {strides = array<i32>} : memref<400x64xf32, #tpu.memory_space<vmem>>, vector<1x16xf32>,
        %parallel_loop3A_695 = vector.shape_cast %parallel_loop3A_694 : vector<1x16xf32> to vector<16xf32>
        %parallel_loop3A_696 = arith.addf %parallel_loop3A_640, %parallel_loop3A_695 : vector<16xf32>
        scf.yield %parallel_loop3A_647, %parallel_loop3A_654, %parallel_loop3A_661, %parallel_loop3A_668, %parallel_loop3A_675, %parallel_loop3A_682, %parallel_loop3A_689, %parallel_loop3A_696 : vector<16xf32>, vector<16xf32>, vector<16xf32>, vector<16xf32>, vector<16xf32>, vector<16xf32>, vector<16xf32>, vector<16xf32>
      } {sc.loop_unroll_factor = 8 : i64, sc.parallel_access}
      %jit3A_250 = arith.constant 32 : i32
      %eq3A_251 = arith.constant 0 : i32
      %eq3A_252 = arith.cmpi eq, %jit3A_250, %eq3A_251 : i32
      %jit3A_253 = arith.constant 1 : i32
      %select_n3A_254 = arith.select %eq3A_252, %jit3A_253, %jit3A_250 : i32
      %rem3A_255 = arith.remsi %add3A_205, %select_n3A_254 : i32
      %ne3A_256 = arith.constant 0 : i32
      %ne3A_257 = arith.cmpi ne, %rem3A_255, %ne3A_256 : i32
      %lt3A_258 = arith.constant 0 : i32
      %lt3A_259 = arith.cmpi slt, %rem3A_255, %lt3A_258 : i32
      %lt3A_260 = arith.constant 0 : i32
      %lt3A_261 = arith.cmpi slt, %select_n3A_254, %lt3A_260 : i32
      %ne3A_262 = arith.xori %lt3A_259, %lt3A_261 : i1
      %and3A_263 = arith.andi %ne3A_262, %ne3A_257 : i1
      %add3A_264 = arith.addi %rem3A_255, %select_n3A_254 : i32
      %select_n3A_265 = arith.select %and3A_263, %add3A_264, %rem3A_255 : i32
      %mul3A_266 = arith.constant 2 : i32
      %mul3A_267 = arith.muli %select_n3A_265, %mul3A_266 : i32
      %add3A_268 = arith.constant 0 : i32
      %add3A_269 = arith.addi %mul3A_267, %add3A_268 : i32
      %swap3A_270 = arith.index_cast %add3A_269 : i32 to index
      %swap3A_271 = arith.constant 0 : index
      %swap3A_272 = tpu.vector_load %arg13[%swap3A_270, %swap3A_271] {strides = array<i32>} : memref<64x64xf32, #tpu.memory_space<vmem>>, vector<1x16xf32>,
      %swap3A_273 = vector.shape_cast %swap3A_272 : vector<1x16xf32> to vector<16xf32>
      %swap3A_274 = vector.shape_cast %parallel_loop3A_249#0 : vector<16xf32> to vector<1x16xf32>
      tpu.vector_store %arg13[%swap3A_270, %swap3A_271], %swap3A_274 {strides = array<i32>} : memref<64x64xf32, #tpu.memory_space<vmem>>, vector<1x16xf32>,
      %add3A_275 = arith.constant 0 : i32
      %add3A_276 = arith.addi %mul3A_267, %add3A_275 : i32
      %swap3A_277 = arith.index_cast %add3A_276 : i32 to index
      %swap3A_278 = arith.constant 16 : index
      %swap3A_279 = tpu.vector_load %arg13[%swap3A_277, %swap3A_278] {strides = array<i32>} : memref<64x64xf32, #tpu.memory_space<vmem>>, vector<1x16xf32>,
      %swap3A_280 = vector.shape_cast %swap3A_279 : vector<1x16xf32> to vector<16xf32>
      %swap3A_281 = vector.shape_cast %parallel_loop3A_249#1 : vector<16xf32> to vector<1x16xf32>
      tpu.vector_store %arg13[%swap3A_277, %swap3A_278], %swap3A_281 {strides = array<i32>} : memref<64x64xf32, #tpu.memory_space<vmem>>, vector<1x16xf32>,
      %add3A_282 = arith.constant 0 : i32
      %add3A_283 = arith.addi %mul3A_267, %add3A_282 : i32
      %swap3A_284 = arith.index_cast %add3A_283 : i32 to index
      %swap3A_285 = arith.constant 32 : index
      %swap3A_286 = tpu.vector_load %arg13[%swap3A_284, %swap3A_285] {strides = array<i32>} : memref<64x64xf32, #tpu.memory_space<vmem>>, vector<1x16xf32>,
      %swap3A_287 = vector.shape_cast %swap3A_286 : vector<1x16xf32> to vector<16xf32>
      %swap3A_288 = vector.shape_cast %parallel_loop3A_249#2 : vector<16xf32> to vector<1x16xf32>
      tpu.vector_store %arg13[%swap3A_284, %swap3A_285], %swap3A_288 {strides = array<i32>} : memref<64x64xf32, #tpu.memory_space<vmem>>, vector<1x16xf32>,
      %add3A_289 = arith.constant 0 : i32
      %add3A_290 = arith.addi %mul3A_267, %add3A_289 : i32
      %swap3A_291 = arith.index_cast %add3A_290 : i32 to index
      %swap3A_292 = arith.constant 48 : index
      %swap3A_293 = tpu.vector_load %arg13[%swap3A_291, %swap3A_292] {strides = array<i32>} : memref<64x64xf32, #tpu.memory_space<vmem>>, vector<1x16xf32>,
      %swap3A_294 = vector.shape_cast %swap3A_293 : vector<1x16xf32> to vector<16xf32>
      %swap3A_295 = vector.shape_cast %parallel_loop3A_249#3 : vector<16xf32> to vector<1x16xf32>
      tpu.vector_store %arg13[%swap3A_291, %swap3A_292], %swap3A_295 {strides = array<i32>} : memref<64x64xf32, #tpu.memory_space<vmem>>, vector<1x16xf32>,
      %add3A_296 = arith.constant 1 : i32
      %add3A_297 = arith.addi %mul3A_267, %add3A_296 : i32
      %swap3A_298 = arith.index_cast %add3A_297 : i32 to index
      %swap3A_299 = arith.constant 0 : index
      %swap3A_300 = tpu.vector_load %arg13[%swap3A_298, %swap3A_299] {strides = array<i32>} : memref<64x64xf32, #tpu.memory_space<vmem>>, vector<1x16xf32>,
      %swap3A_301 = vector.shape_cast %swap3A_300 : vector<1x16xf32> to vector<16xf32>
      %swap3A_302 = vector.shape_cast %parallel_loop3A_249#4 : vector<16xf32> to vector<1x16xf32>
      tpu.vector_store %arg13[%swap3A_298, %swap3A_299], %swap3A_302 {strides = array<i32>} : memref<64x64xf32, #tpu.memory_space<vmem>>, vector<1x16xf32>,
      %add3A_303 = arith.constant 1 : i32
      %add3A_304 = arith.addi %mul3A_267, %add3A_303 : i32
      %swap3A_305 = arith.index_cast %add3A_304 : i32 to index
      %swap3A_306 = arith.constant 16 : index
      %swap3A_307 = tpu.vector_load %arg13[%swap3A_305, %swap3A_306] {strides = array<i32>} : memref<64x64xf32, #tpu.memory_space<vmem>>, vector<1x16xf32>,
      %swap3A_308 = vector.shape_cast %swap3A_307 : vector<1x16xf32> to vector<16xf32>
      %swap3A_309 = vector.shape_cast %parallel_loop3A_249#5 : vector<16xf32> to vector<1x16xf32>
      tpu.vector_store %arg13[%swap3A_305, %swap3A_306], %swap3A_309 {strides = array<i32>} : memref<64x64xf32, #tpu.memory_space<vmem>>, vector<1x16xf32>,
      %add3A_310 = arith.constant 1 : i32
      %add3A_311 = arith.addi %mul3A_267, %add3A_310 : i32
      %swap3A_312 = arith.index_cast %add3A_311 : i32 to index
      %swap3A_313 = arith.constant 32 : index
      %swap3A_314 = tpu.vector_load %arg13[%swap3A_312, %swap3A_313] {strides = array<i32>} : memref<64x64xf32, #tpu.memory_space<vmem>>, vector<1x16xf32>,
      %swap3A_315 = vector.shape_cast %swap3A_314 : vector<1x16xf32> to vector<16xf32>
      %swap3A_316 = vector.shape_cast %parallel_loop3A_249#6 : vector<16xf32> to vector<1x16xf32>
      tpu.vector_store %arg13[%swap3A_312, %swap3A_313], %swap3A_316 {strides = array<i32>} : memref<64x64xf32, #tpu.memory_space<vmem>>, vector<1x16xf32>,
      %add3A_317 = arith.constant 1 : i32
      %add3A_318 = arith.addi %mul3A_267, %add3A_317 : i32
      %swap3A_319 = arith.index_cast %add3A_318 : i32 to index
      %swap3A_320 = arith.constant 48 : index
      %swap3A_321 = tpu.vector_load %arg13[%swap3A_319, %swap3A_320] {strides = array<i32>} : memref<64x64xf32, #tpu.memory_space<vmem>>, vector<1x16xf32>,
      %swap3A_322 = vector.shape_cast %swap3A_321 : vector<1x16xf32> to vector<16xf32>
      %swap3A_323 = vector.shape_cast %parallel_loop3A_249#7 : vector<16xf32> to vector<1x16xf32>
      tpu.vector_store %arg13[%swap3A_319, %swap3A_320], %swap3A_323 {strides = array<i32>} : memref<64x64xf32, #tpu.memory_space<vmem>>, vector<1x16xf32>,
      %jit3A_324 = arith.constant 32 : i32
      %eq3A_325 = arith.constant 0 : i32
      %eq3A_326 = arith.cmpi eq, %jit3A_324, %eq3A_325 : i32
      %jit3A_327 = arith.constant 1 : i32
      %select_n3A_328 = arith.select %eq3A_326, %jit3A_327, %jit3A_324 : i32
      %rem3A_329 = arith.remsi %add3A_205, %select_n3A_328 : i32
      %ne3A_330 = arith.constant 0 : i32
      %ne3A_331 = arith.cmpi ne, %rem3A_329, %ne3A_330 : i32
      %lt3A_332 = arith.constant 0 : i32
      %lt3A_333 = arith.cmpi slt, %rem3A_329, %lt3A_332 : i32
      %lt3A_334 = arith.constant 0 : i32
      %lt3A_335 = arith.cmpi slt, %select_n3A_328, %lt3A_334 : i32
      %ne3A_336 = arith.xori %lt3A_333, %lt3A_335 : i1
      %and3A_337 = arith.andi %ne3A_336, %ne3A_331 : i1
      %add3A_338 = arith.addi %rem3A_329, %select_n3A_328 : i32
      %select_n3A_339 = arith.select %and3A_337, %add3A_338, %rem3A_329 : i32
      %eq3A_340 = arith.constant 31 : i32
      %eq3A_341 = arith.cmpi eq, %select_n3A_339, %eq3A_340 : i32
      %convert_element_type3A_342 = arith.extui %eq3A_341 : i1 to i32
      %cond3A_343 = arith.constant 0 : i32
      %cond3A_344 = arith.cmpi ne, %convert_element_type3A_342, %cond3A_343 : i32
      scf.if %cond3A_344 {
        %add3A_632 = arith.constant 1 : i32
        %add3A_633 = arith.addi %add3A_205, %add3A_632 : i32
        %sub3A_634 = arith.constant 32 : i32
        %sub3A_635 = arith.subi %add3A_633, %sub3A_634 : i32
        %mul3A_636 = arith.constant 2 : i32
        %mul3A_637 = arith.muli %sub3A_635, %mul3A_636 : i32
        %add3A_638 = arith.addi %mul3A_2, %mul3A_637 : i32
        %multiple_of3A_639 = tpu.assume_multiple %add3A_638, 64 : i32
        "tpu.region"() ({
          %run_scoped3A = tpu.sem_alloc : memref<!tpu.dma_semaphore, #tpu.memory_space<semaphore_mem>>
          %dma_start3A_640 = arith.constant 0 : i32
          %dma_start3A_641 = tpu.memref_slice %arg4[%multiple_of3A_639, %dma_start3A_640] : memref<16384x64xf32, #tpu.memory_space<hbm>> -> memref<64x64xf32, #tpu.memory_space<hbm>>
          %dma_start3A_642 = arith.constant 0 : i32
          %dma_start3A_643 = tpu.memref_slice %arg4[%multiple_of3A_639, %dma_start3A_642] : memref<16384x64xf32, #tpu.memory_space<hbm>> -> memref<64x64xf32, #tpu.memory_space<hbm>>
          tpu.enqueue_dma source(%arg13 : memref<64x64xf32, #tpu.memory_space<vmem>>) target(%dma_start3A_643 : memref<64x64xf32, #tpu.memory_space<hbm>>) target_semaphore(%run_scoped3A : memref<!tpu.dma_semaphore, #tpu.memory_space<semaphore_mem>>)
          %dma_wait3A_644 = arith.constant 0 : i32
          %dma_wait3A_645 = tpu.memref_slice %arg4[%multiple_of3A_639, %dma_wait3A_644] : memref<16384x64xf32, #tpu.memory_space<hbm>> -> memref<64x64xf32, #tpu.memory_space<hbm>>
          %dma_wait3A_646 = arith.constant 0 : i32
          %dma_wait3A_647 = tpu.memref_slice %arg4[%multiple_of3A_639, %dma_wait3A_646] : memref<16384x64xf32, #tpu.memory_space<hbm>> -> memref<64x64xf32, #tpu.memory_space<hbm>>
          tpu.wait_dma2 semaphore(%run_scoped3A : memref<!tpu.dma_semaphore, #tpu.memory_space<semaphore_mem>>) src(%arg13 : memref<64x64xf32, #tpu.memory_space<vmem>>) dst(%dma_wait3A_647 : memref<64x64xf32, #tpu.memory_space<hbm>>)
          tpu.yield
        }) : () -> ()
      } else {
      }
      %mul3A_345 = arith.constant 4 : i32
      %mul3A_346 = arith.muli %scan3A_70, %mul3A_345 : i32
      %add3A_347 = arith.constant 2 : i32
      %add3A_348 = arith.addi %mul3A_346, %add3A_347 : i32
      %dma_wait3A_349 = arith.constant 0 : i32
      %dma_wait3A_350 = arith.constant 0 : i32
      %dma_wait3A_351 = tpu.memref_slice %arg11[%dma_wait3A_349, %dma_wait3A_350] : memref<400x64xf32, #tpu.memory_space<vmem>> -> memref<400x64xf32, #tpu.memory_space<vmem>>
      %dma_wait3A_352 = arith.constant 0 : i32
      %dma_wait3A_353 = tpu.memref_slice %arg7[%dma_wait3A_352] : memref<400xi32, #tpu.memory_space<vmem>> -> memref<400xi32, #tpu.memory_space<vmem>>
      %dma_wait3A_354 = arith.constant 0 : i32
      %dma_wait3A_355 = arith.constant 0 : i32
      %dma_wait3A_356 = tpu.memref_slice %arg2[%dma_wait3A_354, %dma_wait3A_355] : memref<1000000x64xf32, #tpu.memory_space<hbm>> -> memref<1000000x64xf32, #tpu.memory_space<hbm>>
      tpu.wait_indirect_dma semaphore(%arg20 : memref<!tpu.dma_semaphore, #tpu.memory_space<semaphore_mem>>) src(%dma_wait3A_356 : memref<1000000x64xf32, #tpu.memory_space<hbm>>) dst(%dma_wait3A_351 : memref<400x64xf32, #tpu.memory_space<vmem>>)
      %add3A_357 = arith.constant 4 : i32
      %add3A_358 = arith.addi %add3A_348, %add3A_357 : i32
      %sub3A_359 = arith.constant 1 : i32
      %sub3A_360 = arith.subi %add3A_358, %sub3A_359 : i32
      %lt3A_361 = arith.constant 256 : i32
      %lt3A_362 = arith.cmpi slt, %sub3A_360, %lt3A_361 : i32
      %convert_element_type3A_363 = arith.extui %lt3A_362 : i1 to i32
      %cond3A_364 = arith.constant 0 : i32
      %cond3A_365 = arith.cmpi ne, %convert_element_type3A_363, %cond3A_364 : i32
      scf.if %cond3A_365 {
        %dma_wait3A_632 = arith.constant 0 : i32
        %dma_wait3A_633 = tpu.memref_slice %arg3[%dma_wait3A_632] : memref<3276800xi32, #tpu.memory_space<hbm>> -> memref<400xi32, #tpu.memory_space<hbm>>
        %dma_wait3A_634 = arith.constant 0 : i32
        %dma_wait3A_635 = tpu.memref_slice %arg3[%dma_wait3A_634] : memref<3276800xi32, #tpu.memory_space<hbm>> -> memref<400xi32, #tpu.memory_space<hbm>>
        tpu.wait_dma2 semaphore(%arg15 : memref<!tpu.dma_semaphore, #tpu.memory_space<semaphore_mem>>) src(%dma_wait3A_635 : memref<400xi32, #tpu.memory_space<hbm>>) dst(%arg6 : memref<400xi32, #tpu.memory_space<vmem>>)
        %dma_start3A_636 = arith.constant 0 : i32
        %dma_start3A_637 = arith.constant 0 : i32
        %dma_start3A_638 = tpu.memref_slice %arg10[%dma_start3A_636, %dma_start3A_637] : memref<400x64xf32, #tpu.memory_space<vmem>> -> memref<400x64xf32, #tpu.memory_space<vmem>>
        %dma_start3A_639 = arith.constant 0 : i32
        %dma_start3A_640 = tpu.memref_slice %arg6[%dma_start3A_639] : memref<400xi32, #tpu.memory_space<vmem>> -> memref<400xi32, #tpu.memory_space<vmem>>
        %dma_start3A_641 = arith.constant 0 : i32
        %dma_start3A_642 = arith.constant 0 : i32
        %dma_start3A_643 = tpu.memref_slice %arg2[%dma_start3A_641, %dma_start3A_642] : memref<1000000x64xf32, #tpu.memory_space<hbm>> -> memref<1000000x64xf32, #tpu.memory_space<hbm>>
        tpu.enqueue_indirect_dma source(%dma_start3A_643 : memref<1000000x64xf32, #tpu.memory_space<hbm>>) target(%dma_start3A_638 : memref<400x64xf32, #tpu.memory_space<vmem>>) offsets(%dma_start3A_640 : memref<400xi32, #tpu.memory_space<vmem>>) semaphore(%arg19 : memref<!tpu.dma_semaphore, #tpu.memory_space<semaphore_mem>>)
      } else {
      }
      %add3A_366 = arith.constant 4 : i32
      %add3A_367 = arith.addi %add3A_348, %add3A_366 : i32
      %lt3A_368 = arith.constant 256 : i32
      %lt3A_369 = arith.cmpi slt, %add3A_367, %lt3A_368 : i32
      %convert_element_type3A_370 = arith.extui %lt3A_369 : i1 to i32
      %cond3A_371 = arith.constant 0 : i32
      %cond3A_372 = arith.cmpi ne, %convert_element_type3A_370, %cond3A_371 : i32
      scf.if %cond3A_372 {
        %add3A_632 = arith.constant 4 : i32
        %add3A_633 = arith.addi %add3A_348, %add3A_632 : i32
        %mul3A_634 = arith.constant 2 : i32
        %mul3A_635 = arith.muli %add3A_633, %mul3A_634 : i32
        %add3A_636 = arith.addi %mul3A_2, %mul3A_635 : i32
        %mul3A_637 = arith.constant 200 : i32
        %mul3A_638 = arith.muli %add3A_636, %mul3A_637 : i32
        %multiple_of3A_639 = tpu.assume_multiple %mul3A_638, 400 : i32
        %dma_start3A_640 = tpu.memref_slice %arg3[%multiple_of3A_639] : memref<3276800xi32, #tpu.memory_space<hbm>> -> memref<400xi32, #tpu.memory_space<hbm>>
        %dma_start3A_641 = tpu.memref_slice %arg3[%multiple_of3A_639] : memref<3276800xi32, #tpu.memory_space<hbm>> -> memref<400xi32, #tpu.memory_space<hbm>>
        tpu.enqueue_dma source(%dma_start3A_641 : memref<400xi32, #tpu.memory_space<hbm>>) target(%arg7 : memref<400xi32, #tpu.memory_space<vmem>>) target_semaphore(%arg16 : memref<!tpu.dma_semaphore, #tpu.memory_space<semaphore_mem>>)
      } else {
      }
      %broadcast_in_dim3A_373 = arith.constant 0.000000e+00 : f32
      %broadcast_in_dim3A_374 = vector.broadcast %broadcast_in_dim3A_373 : f32 to vector<16xf32>
      %broadcast_in_dim3A_375 = arith.constant 0.000000e+00 : f32
      %broadcast_in_dim3A_376 = vector.broadcast %broadcast_in_dim3A_375 : f32 to vector<16xf32>
      %broadcast_in_dim3A_377 = arith.constant 0.000000e+00 : f32
      %broadcast_in_dim3A_378 = vector.broadcast %broadcast_in_dim3A_377 : f32 to vector<16xf32>
      %broadcast_in_dim3A_379 = arith.constant 0.000000e+00 : f32
      %broadcast_in_dim3A_380 = vector.broadcast %broadcast_in_dim3A_379 : f32 to vector<16xf32>
      %broadcast_in_dim3A_381 = arith.constant 0.000000e+00 : f32
      %broadcast_in_dim3A_382 = vector.broadcast %broadcast_in_dim3A_381 : f32 to vector<16xf32>
      %broadcast_in_dim3A_383 = arith.constant 0.000000e+00 : f32
      %broadcast_in_dim3A_384 = vector.broadcast %broadcast_in_dim3A_383 : f32 to vector<16xf32>
      %broadcast_in_dim3A_385 = arith.constant 0.000000e+00 : f32
      %broadcast_in_dim3A_386 = vector.broadcast %broadcast_in_dim3A_385 : f32 to vector<16xf32>
      %broadcast_in_dim3A_387 = arith.constant 0.000000e+00 : f32
      %broadcast_in_dim3A_388 = vector.broadcast %broadcast_in_dim3A_387 : f32 to vector<16xf32>
      %parallel_loop3A_389 = arith.constant 0 : i32
      %parallel_loop3A_390 = arith.constant 200 : i32
      %parallel_loop3A_391 = arith.constant 1 : i32
      %parallel_loop3A_392:8 = scf.for %parallel_loop3A_632 = %parallel_loop3A_389 to %parallel_loop3A_390 step %parallel_loop3A_391 iter_args(%parallel_loop3A_633 = %broadcast_in_dim3A_374, %parallel_loop3A_634 = %broadcast_in_dim3A_376, %parallel_loop3A_635 = %broadcast_in_dim3A_378, %parallel_loop3A_636 = %broadcast_in_dim3A_380, %parallel_loop3A_637 = %broadcast_in_dim3A_382, %parallel_loop3A_638 = %broadcast_in_dim3A_384, %parallel_loop3A_639 = %broadcast_in_dim3A_386, %parallel_loop3A_640 = %broadcast_in_dim3A_388) -> (vector<16xf32>, vector<16xf32>, vector<16xf32>, vector<16xf32>, vector<16xf32>, vector<16xf32>, vector<16xf32>, vector<16xf32>)  : i32 {
        %parallel_loop3A_641 = arith.constant 0 : i32
        %parallel_loop3A_642 = arith.addi %parallel_loop3A_641, %parallel_loop3A_632 : i32
        %parallel_loop3A_643 = arith.index_cast %parallel_loop3A_642 : i32 to index
        %parallel_loop3A_644 = arith.constant 0 : index
        %parallel_loop3A_645 = tpu.vector_load %arg11[%parallel_loop3A_643, %parallel_loop3A_644] {strides = array<i32>} : memref<400x64xf32, #tpu.memory_space<vmem>>, vector<1x16xf32>,
        %parallel_loop3A_646 = vector.shape_cast %parallel_loop3A_645 : vector<1x16xf32> to vector<16xf32>
        %parallel_loop3A_647 = arith.addf %parallel_loop3A_633, %parallel_loop3A_646 : vector<16xf32>
        %parallel_loop3A_648 = arith.constant 0 : i32
        %parallel_loop3A_649 = arith.addi %parallel_loop3A_648, %parallel_loop3A_632 : i32
        %parallel_loop3A_650 = arith.index_cast %parallel_loop3A_649 : i32 to index
        %parallel_loop3A_651 = arith.constant 16 : index
        %parallel_loop3A_652 = tpu.vector_load %arg11[%parallel_loop3A_650, %parallel_loop3A_651] {strides = array<i32>} : memref<400x64xf32, #tpu.memory_space<vmem>>, vector<1x16xf32>,
        %parallel_loop3A_653 = vector.shape_cast %parallel_loop3A_652 : vector<1x16xf32> to vector<16xf32>
        %parallel_loop3A_654 = arith.addf %parallel_loop3A_634, %parallel_loop3A_653 : vector<16xf32>
        %parallel_loop3A_655 = arith.constant 0 : i32
        %parallel_loop3A_656 = arith.addi %parallel_loop3A_655, %parallel_loop3A_632 : i32
        %parallel_loop3A_657 = arith.index_cast %parallel_loop3A_656 : i32 to index
        %parallel_loop3A_658 = arith.constant 32 : index
        %parallel_loop3A_659 = tpu.vector_load %arg11[%parallel_loop3A_657, %parallel_loop3A_658] {strides = array<i32>} : memref<400x64xf32, #tpu.memory_space<vmem>>, vector<1x16xf32>,
        %parallel_loop3A_660 = vector.shape_cast %parallel_loop3A_659 : vector<1x16xf32> to vector<16xf32>
        %parallel_loop3A_661 = arith.addf %parallel_loop3A_635, %parallel_loop3A_660 : vector<16xf32>
        %parallel_loop3A_662 = arith.constant 0 : i32
        %parallel_loop3A_663 = arith.addi %parallel_loop3A_662, %parallel_loop3A_632 : i32
        %parallel_loop3A_664 = arith.index_cast %parallel_loop3A_663 : i32 to index
        %parallel_loop3A_665 = arith.constant 48 : index
        %parallel_loop3A_666 = tpu.vector_load %arg11[%parallel_loop3A_664, %parallel_loop3A_665] {strides = array<i32>} : memref<400x64xf32, #tpu.memory_space<vmem>>, vector<1x16xf32>,
        %parallel_loop3A_667 = vector.shape_cast %parallel_loop3A_666 : vector<1x16xf32> to vector<16xf32>
        %parallel_loop3A_668 = arith.addf %parallel_loop3A_636, %parallel_loop3A_667 : vector<16xf32>
        %parallel_loop3A_669 = arith.constant 200 : i32
        %parallel_loop3A_670 = arith.addi %parallel_loop3A_669, %parallel_loop3A_632 : i32
        %parallel_loop3A_671 = arith.index_cast %parallel_loop3A_670 : i32 to index
        %parallel_loop3A_672 = arith.constant 0 : index
        %parallel_loop3A_673 = tpu.vector_load %arg11[%parallel_loop3A_671, %parallel_loop3A_672] {strides = array<i32>} : memref<400x64xf32, #tpu.memory_space<vmem>>, vector<1x16xf32>,
        %parallel_loop3A_674 = vector.shape_cast %parallel_loop3A_673 : vector<1x16xf32> to vector<16xf32>
        %parallel_loop3A_675 = arith.addf %parallel_loop3A_637, %parallel_loop3A_674 : vector<16xf32>
        %parallel_loop3A_676 = arith.constant 200 : i32
        %parallel_loop3A_677 = arith.addi %parallel_loop3A_676, %parallel_loop3A_632 : i32
        %parallel_loop3A_678 = arith.index_cast %parallel_loop3A_677 : i32 to index
        %parallel_loop3A_679 = arith.constant 16 : index
        %parallel_loop3A_680 = tpu.vector_load %arg11[%parallel_loop3A_678, %parallel_loop3A_679] {strides = array<i32>} : memref<400x64xf32, #tpu.memory_space<vmem>>, vector<1x16xf32>,
        %parallel_loop3A_681 = vector.shape_cast %parallel_loop3A_680 : vector<1x16xf32> to vector<16xf32>
        %parallel_loop3A_682 = arith.addf %parallel_loop3A_638, %parallel_loop3A_681 : vector<16xf32>
        %parallel_loop3A_683 = arith.constant 200 : i32
        %parallel_loop3A_684 = arith.addi %parallel_loop3A_683, %parallel_loop3A_632 : i32
        %parallel_loop3A_685 = arith.index_cast %parallel_loop3A_684 : i32 to index
        %parallel_loop3A_686 = arith.constant 32 : index
        %parallel_loop3A_687 = tpu.vector_load %arg11[%parallel_loop3A_685, %parallel_loop3A_686] {strides = array<i32>} : memref<400x64xf32, #tpu.memory_space<vmem>>, vector<1x16xf32>,
        %parallel_loop3A_688 = vector.shape_cast %parallel_loop3A_687 : vector<1x16xf32> to vector<16xf32>
        %parallel_loop3A_689 = arith.addf %parallel_loop3A_639, %parallel_loop3A_688 : vector<16xf32>
        %parallel_loop3A_690 = arith.constant 200 : i32
        %parallel_loop3A_691 = arith.addi %parallel_loop3A_690, %parallel_loop3A_632 : i32
        %parallel_loop3A_692 = arith.index_cast %parallel_loop3A_691 : i32 to index
        %parallel_loop3A_693 = arith.constant 48 : index
        %parallel_loop3A_694 = tpu.vector_load %arg11[%parallel_loop3A_692, %parallel_loop3A_693] {strides = array<i32>} : memref<400x64xf32, #tpu.memory_space<vmem>>, vector<1x16xf32>,
        %parallel_loop3A_695 = vector.shape_cast %parallel_loop3A_694 : vector<1x16xf32> to vector<16xf32>
        %parallel_loop3A_696 = arith.addf %parallel_loop3A_640, %parallel_loop3A_695 : vector<16xf32>
        scf.yield %parallel_loop3A_647, %parallel_loop3A_654, %parallel_loop3A_661, %parallel_loop3A_668, %parallel_loop3A_675, %parallel_loop3A_682, %parallel_loop3A_689, %parallel_loop3A_696 : vector<16xf32>, vector<16xf32>, vector<16xf32>, vector<16xf32>, vector<16xf32>, vector<16xf32>, vector<16xf32>, vector<16xf32>
      } {sc.loop_unroll_factor = 8 : i64, sc.parallel_access}
      %jit3A_393 = arith.constant 32 : i32
      %eq3A_394 = arith.constant 0 : i32
      %eq3A_395 = arith.cmpi eq, %jit3A_393, %eq3A_394 : i32
      %jit3A_396 = arith.constant 1 : i32
      %select_n3A_397 = arith.select %eq3A_395, %jit3A_396, %jit3A_393 : i32
      %rem3A_398 = arith.remsi %add3A_348, %select_n3A_397 : i32
      %ne3A_399 = arith.constant 0 : i32
      %ne3A_400 = arith.cmpi ne, %rem3A_398, %ne3A_399 : i32
      %lt3A_401 = arith.constant 0 : i32
      %lt3A_402 = arith.cmpi slt, %rem3A_398, %lt3A_401 : i32
      %lt3A_403 = arith.constant 0 : i32
      %lt3A_404 = arith.cmpi slt, %select_n3A_397, %lt3A_403 : i32
      %ne3A_405 = arith.xori %lt3A_402, %lt3A_404 : i1
      %and3A_406 = arith.andi %ne3A_405, %ne3A_400 : i1
      %add3A_407 = arith.addi %rem3A_398, %select_n3A_397 : i32
      %select_n3A_408 = arith.select %and3A_406, %add3A_407, %rem3A_398 : i32
      %mul3A_409 = arith.constant 2 : i32
      %mul3A_410 = arith.muli %select_n3A_408, %mul3A_409 : i32
      %add3A_411 = arith.constant 0 : i32
      %add3A_412 = arith.addi %mul3A_410, %add3A_411 : i32
      %swap3A_413 = arith.index_cast %add3A_412 : i32 to index
      %swap3A_414 = arith.constant 0 : index
      %swap3A_415 = tpu.vector_load %arg13[%swap3A_413, %swap3A_414] {strides = array<i32>} : memref<64x64xf32, #tpu.memory_space<vmem>>, vector<1x16xf32>,
      %swap3A_416 = vector.shape_cast %swap3A_415 : vector<1x16xf32> to vector<16xf32>
      %swap3A_417 = vector.shape_cast %parallel_loop3A_392#0 : vector<16xf32> to vector<1x16xf32>
      tpu.vector_store %arg13[%swap3A_413, %swap3A_414], %swap3A_417 {strides = array<i32>} : memref<64x64xf32, #tpu.memory_space<vmem>>, vector<1x16xf32>,
      %add3A_418 = arith.constant 0 : i32
      %add3A_419 = arith.addi %mul3A_410, %add3A_418 : i32
      %swap3A_420 = arith.index_cast %add3A_419 : i32 to index
      %swap3A_421 = arith.constant 16 : index
      %swap3A_422 = tpu.vector_load %arg13[%swap3A_420, %swap3A_421] {strides = array<i32>} : memref<64x64xf32, #tpu.memory_space<vmem>>, vector<1x16xf32>,
      %swap3A_423 = vector.shape_cast %swap3A_422 : vector<1x16xf32> to vector<16xf32>
      %swap3A_424 = vector.shape_cast %parallel_loop3A_392#1 : vector<16xf32> to vector<1x16xf32>
      tpu.vector_store %arg13[%swap3A_420, %swap3A_421], %swap3A_424 {strides = array<i32>} : memref<64x64xf32, #tpu.memory_space<vmem>>, vector<1x16xf32>,
      %add3A_425 = arith.constant 0 : i32
      %add3A_426 = arith.addi %mul3A_410, %add3A_425 : i32
      %swap3A_427 = arith.index_cast %add3A_426 : i32 to index
      %swap3A_428 = arith.constant 32 : index
      %swap3A_429 = tpu.vector_load %arg13[%swap3A_427, %swap3A_428] {strides = array<i32>} : memref<64x64xf32, #tpu.memory_space<vmem>>, vector<1x16xf32>,
      %swap3A_430 = vector.shape_cast %swap3A_429 : vector<1x16xf32> to vector<16xf32>
      %swap3A_431 = vector.shape_cast %parallel_loop3A_392#2 : vector<16xf32> to vector<1x16xf32>
      tpu.vector_store %arg13[%swap3A_427, %swap3A_428], %swap3A_431 {strides = array<i32>} : memref<64x64xf32, #tpu.memory_space<vmem>>, vector<1x16xf32>,
      %add3A_432 = arith.constant 0 : i32
      %add3A_433 = arith.addi %mul3A_410, %add3A_432 : i32
      %swap3A_434 = arith.index_cast %add3A_433 : i32 to index
      %swap3A_435 = arith.constant 48 : index
      %swap3A_436 = tpu.vector_load %arg13[%swap3A_434, %swap3A_435] {strides = array<i32>} : memref<64x64xf32, #tpu.memory_space<vmem>>, vector<1x16xf32>,
      %swap3A_437 = vector.shape_cast %swap3A_436 : vector<1x16xf32> to vector<16xf32>
      %swap3A_438 = vector.shape_cast %parallel_loop3A_392#3 : vector<16xf32> to vector<1x16xf32>
      tpu.vector_store %arg13[%swap3A_434, %swap3A_435], %swap3A_438 {strides = array<i32>} : memref<64x64xf32, #tpu.memory_space<vmem>>, vector<1x16xf32>,
      %add3A_439 = arith.constant 1 : i32
      %add3A_440 = arith.addi %mul3A_410, %add3A_439 : i32
      %swap3A_441 = arith.index_cast %add3A_440 : i32 to index
      %swap3A_442 = arith.constant 0 : index
      %swap3A_443 = tpu.vector_load %arg13[%swap3A_441, %swap3A_442] {strides = array<i32>} : memref<64x64xf32, #tpu.memory_space<vmem>>, vector<1x16xf32>,
      %swap3A_444 = vector.shape_cast %swap3A_443 : vector<1x16xf32> to vector<16xf32>
      %swap3A_445 = vector.shape_cast %parallel_loop3A_392#4 : vector<16xf32> to vector<1x16xf32>
      tpu.vector_store %arg13[%swap3A_441, %swap3A_442], %swap3A_445 {strides = array<i32>} : memref<64x64xf32, #tpu.memory_space<vmem>>, vector<1x16xf32>,
      %add3A_446 = arith.constant 1 : i32
      %add3A_447 = arith.addi %mul3A_410, %add3A_446 : i32
      %swap3A_448 = arith.index_cast %add3A_447 : i32 to index
      %swap3A_449 = arith.constant 16 : index
      %swap3A_450 = tpu.vector_load %arg13[%swap3A_448, %swap3A_449] {strides = array<i32>} : memref<64x64xf32, #tpu.memory_space<vmem>>, vector<1x16xf32>,
      %swap3A_451 = vector.shape_cast %swap3A_450 : vector<1x16xf32> to vector<16xf32>
      %swap3A_452 = vector.shape_cast %parallel_loop3A_392#5 : vector<16xf32> to vector<1x16xf32>
      tpu.vector_store %arg13[%swap3A_448, %swap3A_449], %swap3A_452 {strides = array<i32>} : memref<64x64xf32, #tpu.memory_space<vmem>>, vector<1x16xf32>,
      %add3A_453 = arith.constant 1 : i32
      %add3A_454 = arith.addi %mul3A_410, %add3A_453 : i32
      %swap3A_455 = arith.index_cast %add3A_454 : i32 to index
      %swap3A_456 = arith.constant 32 : index
      %swap3A_457 = tpu.vector_load %arg13[%swap3A_455, %swap3A_456] {strides = array<i32>} : memref<64x64xf32, #tpu.memory_space<vmem>>, vector<1x16xf32>,
      %swap3A_458 = vector.shape_cast %swap3A_457 : vector<1x16xf32> to vector<16xf32>
      %swap3A_459 = vector.shape_cast %parallel_loop3A_392#6 : vector<16xf32> to vector<1x16xf32>
      tpu.vector_store %arg13[%swap3A_455, %swap3A_456], %swap3A_459 {strides = array<i32>} : memref<64x64xf32, #tpu.memory_space<vmem>>, vector<1x16xf32>,
      %add3A_460 = arith.constant 1 : i32
      %add3A_461 = arith.addi %mul3A_410, %add3A_460 : i32
      %swap3A_462 = arith.index_cast %add3A_461 : i32 to index
      %swap3A_463 = arith.constant 48 : index
      %swap3A_464 = tpu.vector_load %arg13[%swap3A_462, %swap3A_463] {strides = array<i32>} : memref<64x64xf32, #tpu.memory_space<vmem>>, vector<1x16xf32>,
      %swap3A_465 = vector.shape_cast %swap3A_464 : vector<1x16xf32> to vector<16xf32>
      %swap3A_466 = vector.shape_cast %parallel_loop3A_392#7 : vector<16xf32> to vector<1x16xf32>
      tpu.vector_store %arg13[%swap3A_462, %swap3A_463], %swap3A_466 {strides = array<i32>} : memref<64x64xf32, #tpu.memory_space<vmem>>, vector<1x16xf32>,
      %jit3A_467 = arith.constant 32 : i32
      %eq3A_468 = arith.constant 0 : i32
      %eq3A_469 = arith.cmpi eq, %jit3A_467, %eq3A_468 : i32
      %jit3A_470 = arith.constant 1 : i32
      %select_n3A_471 = arith.select %eq3A_469, %jit3A_470, %jit3A_467 : i32
      %rem3A_472 = arith.remsi %add3A_348, %select_n3A_471 : i32
      %ne3A_473 = arith.constant 0 : i32
      %ne3A_474 = arith.cmpi ne, %rem3A_472, %ne3A_473 : i32
      %lt3A_475 = arith.constant 0 : i32
      %lt3A_476 = arith.cmpi slt, %rem3A_472, %lt3A_475 : i32
      %lt3A_477 = arith.constant 0 : i32
      %lt3A_478 = arith.cmpi slt, %select_n3A_471, %lt3A_477 : i32
      %ne3A_479 = arith.xori %lt3A_476, %lt3A_478 : i1
      %and3A_480 = arith.andi %ne3A_479, %ne3A_474 : i1
      %add3A_481 = arith.addi %rem3A_472, %select_n3A_471 : i32
      %select_n3A_482 = arith.select %and3A_480, %add3A_481, %rem3A_472 : i32
      %eq3A_483 = arith.constant 31 : i32
      %eq3A_484 = arith.cmpi eq, %select_n3A_482, %eq3A_483 : i32
      %convert_element_type3A_485 = arith.extui %eq3A_484 : i1 to i32
      %cond3A_486 = arith.constant 0 : i32
      %cond3A_487 = arith.cmpi ne, %convert_element_type3A_485, %cond3A_486 : i32
      scf.if %cond3A_487 {
        %add3A_632 = arith.constant 1 : i32
        %add3A_633 = arith.addi %add3A_348, %add3A_632 : i32
        %sub3A_634 = arith.constant 32 : i32
        %sub3A_635 = arith.subi %add3A_633, %sub3A_634 : i32
        %mul3A_636 = arith.constant 2 : i32
        %mul3A_637 = arith.muli %sub3A_635, %mul3A_636 : i32
        %add3A_638 = arith.addi %mul3A_2, %mul3A_637 : i32
        %multiple_of3A_639 = tpu.assume_multiple %add3A_638, 64 : i32
        "tpu.region"() ({
          %run_scoped3A = tpu.sem_alloc : memref<!tpu.dma_semaphore, #tpu.memory_space<semaphore_mem>>
          %dma_start3A_640 = arith.constant 0 : i32
          %dma_start3A_641 = tpu.memref_slice %arg4[%multiple_of3A_639, %dma_start3A_640] : memref<16384x64xf32, #tpu.memory_space<hbm>> -> memref<64x64xf32, #tpu.memory_space<hbm>>
          %dma_start3A_642 = arith.constant 0 : i32
          %dma_start3A_643 = tpu.memref_slice %arg4[%multiple_of3A_639, %dma_start3A_642] : memref<16384x64xf32, #tpu.memory_space<hbm>> -> memref<64x64xf32, #tpu.memory_space<hbm>>
          tpu.enqueue_dma source(%arg13 : memref<64x64xf32, #tpu.memory_space<vmem>>) target(%dma_start3A_643 : memref<64x64xf32, #tpu.memory_space<hbm>>) target_semaphore(%run_scoped3A : memref<!tpu.dma_semaphore, #tpu.memory_space<semaphore_mem>>)
          %dma_wait3A_644 = arith.constant 0 : i32
          %dma_wait3A_645 = tpu.memref_slice %arg4[%multiple_of3A_639, %dma_wait3A_644] : memref<16384x64xf32, #tpu.memory_space<hbm>> -> memref<64x64xf32, #tpu.memory_space<hbm>>
          %dma_wait3A_646 = arith.constant 0 : i32
          %dma_wait3A_647 = tpu.memref_slice %arg4[%multiple_of3A_639, %dma_wait3A_646] : memref<16384x64xf32, #tpu.memory_space<hbm>> -> memref<64x64xf32, #tpu.memory_space<hbm>>
          tpu.wait_dma2 semaphore(%run_scoped3A : memref<!tpu.dma_semaphore, #tpu.memory_space<semaphore_mem>>) src(%arg13 : memref<64x64xf32, #tpu.memory_space<vmem>>) dst(%dma_wait3A_647 : memref<64x64xf32, #tpu.memory_space<hbm>>)
          tpu.yield
        }) : () -> ()
      } else {
      }
      %mul3A_488 = arith.constant 4 : i32
      %mul3A_489 = arith.muli %scan3A_70, %mul3A_488 : i32
      %add3A_490 = arith.constant 3 : i32
      %add3A_491 = arith.addi %mul3A_489, %add3A_490 : i32
      %dma_wait3A_492 = arith.constant 0 : i32
      %dma_wait3A_493 = arith.constant 0 : i32
      %dma_wait3A_494 = tpu.memref_slice %arg12[%dma_wait3A_492, %dma_wait3A_493] : memref<400x64xf32, #tpu.memory_space<vmem>> -> memref<400x64xf32, #tpu.memory_space<vmem>>
      %dma_wait3A_495 = arith.constant 0 : i32
      %dma_wait3A_496 = tpu.memref_slice %arg8[%dma_wait3A_495] : memref<400xi32, #tpu.memory_space<vmem>> -> memref<400xi32, #tpu.memory_space<vmem>>
      %dma_wait3A_497 = arith.constant 0 : i32
      %dma_wait3A_498 = arith.constant 0 : i32
      %dma_wait3A_499 = tpu.memref_slice %arg2[%dma_wait3A_497, %dma_wait3A_498] : memref<1000000x64xf32, #tpu.memory_space<hbm>> -> memref<1000000x64xf32, #tpu.memory_space<hbm>>
      tpu.wait_indirect_dma semaphore(%arg21 : memref<!tpu.dma_semaphore, #tpu.memory_space<semaphore_mem>>) src(%dma_wait3A_499 : memref<1000000x64xf32, #tpu.memory_space<hbm>>) dst(%dma_wait3A_494 : memref<400x64xf32, #tpu.memory_space<vmem>>)
      %add3A_500 = arith.constant 4 : i32
      %add3A_501 = arith.addi %add3A_491, %add3A_500 : i32
      %sub3A_502 = arith.constant 1 : i32
      %sub3A_503 = arith.subi %add3A_501, %sub3A_502 : i32
      %lt3A_504 = arith.constant 256 : i32
      %lt3A_505 = arith.cmpi slt, %sub3A_503, %lt3A_504 : i32
      %convert_element_type3A_506 = arith.extui %lt3A_505 : i1 to i32
      %cond3A_507 = arith.constant 0 : i32
      %cond3A_508 = arith.cmpi ne, %convert_element_type3A_506, %cond3A_507 : i32
      scf.if %cond3A_508 {
        %dma_wait3A_632 = arith.constant 0 : i32
        %dma_wait3A_633 = tpu.memref_slice %arg3[%dma_wait3A_632] : memref<3276800xi32, #tpu.memory_space<hbm>> -> memref<400xi32, #tpu.memory_space<hbm>>
        %dma_wait3A_634 = arith.constant 0 : i32
        %dma_wait3A_635 = tpu.memref_slice %arg3[%dma_wait3A_634] : memref<3276800xi32, #tpu.memory_space<hbm>> -> memref<400xi32, #tpu.memory_space<hbm>>
        tpu.wait_dma2 semaphore(%arg16 : memref<!tpu.dma_semaphore, #tpu.memory_space<semaphore_mem>>) src(%dma_wait3A_635 : memref<400xi32, #tpu.memory_space<hbm>>) dst(%arg7 : memref<400xi32, #tpu.memory_space<vmem>>)
        %dma_start3A_636 = arith.constant 0 : i32
        %dma_start3A_637 = arith.constant 0 : i32
        %dma_start3A_638 = tpu.memref_slice %arg11[%dma_start3A_636, %dma_start3A_637] : memref<400x64xf32, #tpu.memory_space<vmem>> -> memref<400x64xf32, #tpu.memory_space<vmem>>
        %dma_start3A_639 = arith.constant 0 : i32
        %dma_start3A_640 = tpu.memref_slice %arg7[%dma_start3A_639] : memref<400xi32, #tpu.memory_space<vmem>> -> memref<400xi32, #tpu.memory_space<vmem>>
        %dma_start3A_641 = arith.constant 0 : i32
        %dma_start3A_642 = arith.constant 0 : i32
        %dma_start3A_643 = tpu.memref_slice %arg2[%dma_start3A_641, %dma_start3A_642] : memref<1000000x64xf32, #tpu.memory_space<hbm>> -> memref<1000000x64xf32, #tpu.memory_space<hbm>>
        tpu.enqueue_indirect_dma source(%dma_start3A_643 : memref<1000000x64xf32, #tpu.memory_space<hbm>>) target(%dma_start3A_638 : memref<400x64xf32, #tpu.memory_space<vmem>>) offsets(%dma_start3A_640 : memref<400xi32, #tpu.memory_space<vmem>>) semaphore(%arg20 : memref<!tpu.dma_semaphore, #tpu.memory_space<semaphore_mem>>)
      } else {
      }
      %add3A_509 = arith.constant 4 : i32
      %add3A_510 = arith.addi %add3A_491, %add3A_509 : i32
      %lt3A_511 = arith.constant 256 : i32
      %lt3A_512 = arith.cmpi slt, %add3A_510, %lt3A_511 : i32
      %convert_element_type3A_513 = arith.extui %lt3A_512 : i1 to i32
      %cond3A_514 = arith.constant 0 : i32
      %cond3A_515 = arith.cmpi ne, %convert_element_type3A_513, %cond3A_514 : i32
      scf.if %cond3A_515 {
        %add3A_632 = arith.constant 4 : i32
        %add3A_633 = arith.addi %add3A_491, %add3A_632 : i32
        %mul3A_634 = arith.constant 2 : i32
        %mul3A_635 = arith.muli %add3A_633, %mul3A_634 : i32
        %add3A_636 = arith.addi %mul3A_2, %mul3A_635 : i32
        %mul3A_637 = arith.constant 200 : i32
        %mul3A_638 = arith.muli %add3A_636, %mul3A_637 : i32
        %multiple_of3A_639 = tpu.assume_multiple %mul3A_638, 400 : i32
        %dma_start3A_640 = tpu.memref_slice %arg3[%multiple_of3A_639] : memref<3276800xi32, #tpu.memory_space<hbm>> -> memref<400xi32, #tpu.memory_space<hbm>>
        %dma_start3A_641 = tpu.memref_slice %arg3[%multiple_of3A_639] : memref<3276800xi32, #tpu.memory_space<hbm>> -> memref<400xi32, #tpu.memory_space<hbm>>
        tpu.enqueue_dma source(%dma_start3A_641 : memref<400xi32, #tpu.memory_space<hbm>>) target(%arg8 : memref<400xi32, #tpu.memory_space<vmem>>) target_semaphore(%arg17 : memref<!tpu.dma_semaphore, #tpu.memory_space<semaphore_mem>>)
      } else {
      }
      %broadcast_in_dim3A_516 = arith.constant 0.000000e+00 : f32
      %broadcast_in_dim3A_517 = vector.broadcast %broadcast_in_dim3A_516 : f32 to vector<16xf32>
      %broadcast_in_dim3A_518 = arith.constant 0.000000e+00 : f32
      %broadcast_in_dim3A_519 = vector.broadcast %broadcast_in_dim3A_518 : f32 to vector<16xf32>
      %broadcast_in_dim3A_520 = arith.constant 0.000000e+00 : f32
      %broadcast_in_dim3A_521 = vector.broadcast %broadcast_in_dim3A_520 : f32 to vector<16xf32>
      %broadcast_in_dim3A_522 = arith.constant 0.000000e+00 : f32
      %broadcast_in_dim3A_523 = vector.broadcast %broadcast_in_dim3A_522 : f32 to vector<16xf32>
      %broadcast_in_dim3A_524 = arith.constant 0.000000e+00 : f32
      %broadcast_in_dim3A_525 = vector.broadcast %broadcast_in_dim3A_524 : f32 to vector<16xf32>
      %broadcast_in_dim3A_526 = arith.constant 0.000000e+00 : f32
      %broadcast_in_dim3A_527 = vector.broadcast %broadcast_in_dim3A_526 : f32 to vector<16xf32>
      %broadcast_in_dim3A_528 = arith.constant 0.000000e+00 : f32
      %broadcast_in_dim3A_529 = vector.broadcast %broadcast_in_dim3A_528 : f32 to vector<16xf32>
      %broadcast_in_dim3A_530 = arith.constant 0.000000e+00 : f32
      %broadcast_in_dim3A_531 = vector.broadcast %broadcast_in_dim3A_530 : f32 to vector<16xf32>
      %parallel_loop3A_532 = arith.constant 0 : i32
      %parallel_loop3A_533 = arith.constant 200 : i32
      %parallel_loop3A_534 = arith.constant 1 : i32
      %parallel_loop3A_535:8 = scf.for %parallel_loop3A_632 = %parallel_loop3A_532 to %parallel_loop3A_533 step %parallel_loop3A_534 iter_args(%parallel_loop3A_633 = %broadcast_in_dim3A_517, %parallel_loop3A_634 = %broadcast_in_dim3A_519, %parallel_loop3A_635 = %broadcast_in_dim3A_521, %parallel_loop3A_636 = %broadcast_in_dim3A_523, %parallel_loop3A_637 = %broadcast_in_dim3A_525, %parallel_loop3A_638 = %broadcast_in_dim3A_527, %parallel_loop3A_639 = %broadcast_in_dim3A_529, %parallel_loop3A_640 = %broadcast_in_dim3A_531) -> (vector<16xf32>, vector<16xf32>, vector<16xf32>, vector<16xf32>, vector<16xf32>, vector<16xf32>, vector<16xf32>, vector<16xf32>)  : i32 {
        %parallel_loop3A_641 = arith.constant 0 : i32
        %parallel_loop3A_642 = arith.addi %parallel_loop3A_641, %parallel_loop3A_632 : i32
        %parallel_loop3A_643 = arith.index_cast %parallel_loop3A_642 : i32 to index
        %parallel_loop3A_644 = arith.constant 0 : index
        %parallel_loop3A_645 = tpu.vector_load %arg12[%parallel_loop3A_643, %parallel_loop3A_644] {strides = array<i32>} : memref<400x64xf32, #tpu.memory_space<vmem>>, vector<1x16xf32>,
        %parallel_loop3A_646 = vector.shape_cast %parallel_loop3A_645 : vector<1x16xf32> to vector<16xf32>
        %parallel_loop3A_647 = arith.addf %parallel_loop3A_633, %parallel_loop3A_646 : vector<16xf32>
        %parallel_loop3A_648 = arith.constant 0 : i32
        %parallel_loop3A_649 = arith.addi %parallel_loop3A_648, %parallel_loop3A_632 : i32
        %parallel_loop3A_650 = arith.index_cast %parallel_loop3A_649 : i32 to index
        %parallel_loop3A_651 = arith.constant 16 : index
        %parallel_loop3A_652 = tpu.vector_load %arg12[%parallel_loop3A_650, %parallel_loop3A_651] {strides = array<i32>} : memref<400x64xf32, #tpu.memory_space<vmem>>, vector<1x16xf32>,
        %parallel_loop3A_653 = vector.shape_cast %parallel_loop3A_652 : vector<1x16xf32> to vector<16xf32>
        %parallel_loop3A_654 = arith.addf %parallel_loop3A_634, %parallel_loop3A_653 : vector<16xf32>
        %parallel_loop3A_655 = arith.constant 0 : i32
        %parallel_loop3A_656 = arith.addi %parallel_loop3A_655, %parallel_loop3A_632 : i32
        %parallel_loop3A_657 = arith.index_cast %parallel_loop3A_656 : i32 to index
        %parallel_loop3A_658 = arith.constant 32 : index
        %parallel_loop3A_659 = tpu.vector_load %arg12[%parallel_loop3A_657, %parallel_loop3A_658] {strides = array<i32>} : memref<400x64xf32, #tpu.memory_space<vmem>>, vector<1x16xf32>,
        %parallel_loop3A_660 = vector.shape_cast %parallel_loop3A_659 : vector<1x16xf32> to vector<16xf32>
        %parallel_loop3A_661 = arith.addf %parallel_loop3A_635, %parallel_loop3A_660 : vector<16xf32>
        %parallel_loop3A_662 = arith.constant 0 : i32
        %parallel_loop3A_663 = arith.addi %parallel_loop3A_662, %parallel_loop3A_632 : i32
        %parallel_loop3A_664 = arith.index_cast %parallel_loop3A_663 : i32 to index
        %parallel_loop3A_665 = arith.constant 48 : index
        %parallel_loop3A_666 = tpu.vector_load %arg12[%parallel_loop3A_664, %parallel_loop3A_665] {strides = array<i32>} : memref<400x64xf32, #tpu.memory_space<vmem>>, vector<1x16xf32>,
        %parallel_loop3A_667 = vector.shape_cast %parallel_loop3A_666 : vector<1x16xf32> to vector<16xf32>
        %parallel_loop3A_668 = arith.addf %parallel_loop3A_636, %parallel_loop3A_667 : vector<16xf32>
        %parallel_loop3A_669 = arith.constant 200 : i32
        %parallel_loop3A_670 = arith.addi %parallel_loop3A_669, %parallel_loop3A_632 : i32
        %parallel_loop3A_671 = arith.index_cast %parallel_loop3A_670 : i32 to index
        %parallel_loop3A_672 = arith.constant 0 : index
        %parallel_loop3A_673 = tpu.vector_load %arg12[%parallel_loop3A_671, %parallel_loop3A_672] {strides = array<i32>} : memref<400x64xf32, #tpu.memory_space<vmem>>, vector<1x16xf32>,
        %parallel_loop3A_674 = vector.shape_cast %parallel_loop3A_673 : vector<1x16xf32> to vector<16xf32>
        %parallel_loop3A_675 = arith.addf %parallel_loop3A_637, %parallel_loop3A_674 : vector<16xf32>
        %parallel_loop3A_676 = arith.constant 200 : i32
        %parallel_loop3A_677 = arith.addi %parallel_loop3A_676, %parallel_loop3A_632 : i32
        %parallel_loop3A_678 = arith.index_cast %parallel_loop3A_677 : i32 to index
        %parallel_loop3A_679 = arith.constant 16 : index
        %parallel_loop3A_680 = tpu.vector_load %arg12[%parallel_loop3A_678, %parallel_loop3A_679] {strides = array<i32>} : memref<400x64xf32, #tpu.memory_space<vmem>>, vector<1x16xf32>,
        %parallel_loop3A_681 = vector.shape_cast %parallel_loop3A_680 : vector<1x16xf32> to vector<16xf32>
        %parallel_loop3A_682 = arith.addf %parallel_loop3A_638, %parallel_loop3A_681 : vector<16xf32>
        %parallel_loop3A_683 = arith.constant 200 : i32
        %parallel_loop3A_684 = arith.addi %parallel_loop3A_683, %parallel_loop3A_632 : i32
        %parallel_loop3A_685 = arith.index_cast %parallel_loop3A_684 : i32 to index
        %parallel_loop3A_686 = arith.constant 32 : index
        %parallel_loop3A_687 = tpu.vector_load %arg12[%parallel_loop3A_685, %parallel_loop3A_686] {strides = array<i32>} : memref<400x64xf32, #tpu.memory_space<vmem>>, vector<1x16xf32>,
        %parallel_loop3A_688 = vector.shape_cast %parallel_loop3A_687 : vector<1x16xf32> to vector<16xf32>
        %parallel_loop3A_689 = arith.addf %parallel_loop3A_639, %parallel_loop3A_688 : vector<16xf32>
        %parallel_loop3A_690 = arith.constant 200 : i32
        %parallel_loop3A_691 = arith.addi %parallel_loop3A_690, %parallel_loop3A_632 : i32
        %parallel_loop3A_692 = arith.index_cast %parallel_loop3A_691 : i32 to index
        %parallel_loop3A_693 = arith.constant 48 : index
        %parallel_loop3A_694 = tpu.vector_load %arg12[%parallel_loop3A_692, %parallel_loop3A_693] {strides = array<i32>} : memref<400x64xf32, #tpu.memory_space<vmem>>, vector<1x16xf32>,
        %parallel_loop3A_695 = vector.shape_cast %parallel_loop3A_694 : vector<1x16xf32> to vector<16xf32>
        %parallel_loop3A_696 = arith.addf %parallel_loop3A_640, %parallel_loop3A_695 : vector<16xf32>
        scf.yield %parallel_loop3A_647, %parallel_loop3A_654, %parallel_loop3A_661, %parallel_loop3A_668, %parallel_loop3A_675, %parallel_loop3A_682, %parallel_loop3A_689, %parallel_loop3A_696 : vector<16xf32>, vector<16xf32>, vector<16xf32>, vector<16xf32>, vector<16xf32>, vector<16xf32>, vector<16xf32>, vector<16xf32>
      } {sc.loop_unroll_factor = 8 : i64, sc.parallel_access}
      %jit3A_536 = arith.constant 32 : i32
      %eq3A_537 = arith.constant 0 : i32
      %eq3A_538 = arith.cmpi eq, %jit3A_536, %eq3A_537 : i32
      %jit3A_539 = arith.constant 1 : i32
      %select_n3A_540 = arith.select %eq3A_538, %jit3A_539, %jit3A_536 : i32
      %rem3A_541 = arith.remsi %add3A_491, %select_n3A_540 : i32
      %ne3A_542 = arith.constant 0 : i32
      %ne3A_543 = arith.cmpi ne, %rem3A_541, %ne3A_542 : i32
      %lt3A_544 = arith.constant 0 : i32
      %lt3A_545 = arith.cmpi slt, %rem3A_541, %lt3A_544 : i32
      %lt3A_546 = arith.constant 0 : i32
      %lt3A_547 = arith.cmpi slt, %select_n3A_540, %lt3A_546 : i32
      %ne3A_548 = arith.xori %lt3A_545, %lt3A_547 : i1
      %and3A_549 = arith.andi %ne3A_548, %ne3A_543 : i1
      %add3A_550 = arith.addi %rem3A_541, %select_n3A_540 : i32
      %select_n3A_551 = arith.select %and3A_549, %add3A_550, %rem3A_541 : i32
      %mul3A_552 = arith.constant 2 : i32
      %mul3A_553 = arith.muli %select_n3A_551, %mul3A_552 : i32
      %add3A_554 = arith.constant 0 : i32
      %add3A_555 = arith.addi %mul3A_553, %add3A_554 : i32
      %swap3A_556 = arith.index_cast %add3A_555 : i32 to index
      %swap3A_557 = arith.constant 0 : index
      %swap3A_558 = tpu.vector_load %arg13[%swap3A_556, %swap3A_557] {strides = array<i32>} : memref<64x64xf32, #tpu.memory_space<vmem>>, vector<1x16xf32>,
      %swap3A_559 = vector.shape_cast %swap3A_558 : vector<1x16xf32> to vector<16xf32>
      %swap3A_560 = vector.shape_cast %parallel_loop3A_535#0 : vector<16xf32> to vector<1x16xf32>
      tpu.vector_store %arg13[%swap3A_556, %swap3A_557], %swap3A_560 {strides = array<i32>} : memref<64x64xf32, #tpu.memory_space<vmem>>, vector<1x16xf32>,
      %add3A_561 = arith.constant 0 : i32
      %add3A_562 = arith.addi %mul3A_553, %add3A_561 : i32
      %swap3A_563 = arith.index_cast %add3A_562 : i32 to index
      %swap3A_564 = arith.constant 16 : index
      %swap3A_565 = tpu.vector_load %arg13[%swap3A_563, %swap3A_564] {strides = array<i32>} : memref<64x64xf32, #tpu.memory_space<vmem>>, vector<1x16xf32>,
      %swap3A_566 = vector.shape_cast %swap3A_565 : vector<1x16xf32> to vector<16xf32>
      %swap3A_567 = vector.shape_cast %parallel_loop3A_535#1 : vector<16xf32> to vector<1x16xf32>
      tpu.vector_store %arg13[%swap3A_563, %swap3A_564], %swap3A_567 {strides = array<i32>} : memref<64x64xf32, #tpu.memory_space<vmem>>, vector<1x16xf32>,
      %add3A_568 = arith.constant 0 : i32
      %add3A_569 = arith.addi %mul3A_553, %add3A_568 : i32
      %swap3A_570 = arith.index_cast %add3A_569 : i32 to index
      %swap3A_571 = arith.constant 32 : index
      %swap3A_572 = tpu.vector_load %arg13[%swap3A_570, %swap3A_571] {strides = array<i32>} : memref<64x64xf32, #tpu.memory_space<vmem>>, vector<1x16xf32>,
      %swap3A_573 = vector.shape_cast %swap3A_572 : vector<1x16xf32> to vector<16xf32>
      %swap3A_574 = vector.shape_cast %parallel_loop3A_535#2 : vector<16xf32> to vector<1x16xf32>
      tpu.vector_store %arg13[%swap3A_570, %swap3A_571], %swap3A_574 {strides = array<i32>} : memref<64x64xf32, #tpu.memory_space<vmem>>, vector<1x16xf32>,
      %add3A_575 = arith.constant 0 : i32
      %add3A_576 = arith.addi %mul3A_553, %add3A_575 : i32
      %swap3A_577 = arith.index_cast %add3A_576 : i32 to index
      %swap3A_578 = arith.constant 48 : index
      %swap3A_579 = tpu.vector_load %arg13[%swap3A_577, %swap3A_578] {strides = array<i32>} : memref<64x64xf32, #tpu.memory_space<vmem>>, vector<1x16xf32>,
      %swap3A_580 = vector.shape_cast %swap3A_579 : vector<1x16xf32> to vector<16xf32>
      %swap3A_581 = vector.shape_cast %parallel_loop3A_535#3 : vector<16xf32> to vector<1x16xf32>
      tpu.vector_store %arg13[%swap3A_577, %swap3A_578], %swap3A_581 {strides = array<i32>} : memref<64x64xf32, #tpu.memory_space<vmem>>, vector<1x16xf32>,
      %add3A_582 = arith.constant 1 : i32
      %add3A_583 = arith.addi %mul3A_553, %add3A_582 : i32
      %swap3A_584 = arith.index_cast %add3A_583 : i32 to index
      %swap3A_585 = arith.constant 0 : index
      %swap3A_586 = tpu.vector_load %arg13[%swap3A_584, %swap3A_585] {strides = array<i32>} : memref<64x64xf32, #tpu.memory_space<vmem>>, vector<1x16xf32>,
      %swap3A_587 = vector.shape_cast %swap3A_586 : vector<1x16xf32> to vector<16xf32>
      %swap3A_588 = vector.shape_cast %parallel_loop3A_535#4 : vector<16xf32> to vector<1x16xf32>
      tpu.vector_store %arg13[%swap3A_584, %swap3A_585], %swap3A_588 {strides = array<i32>} : memref<64x64xf32, #tpu.memory_space<vmem>>, vector<1x16xf32>,
      %add3A_589 = arith.constant 1 : i32
      %add3A_590 = arith.addi %mul3A_553, %add3A_589 : i32
      %swap3A_591 = arith.index_cast %add3A_590 : i32 to index
      %swap3A_592 = arith.constant 16 : index
      %swap3A_593 = tpu.vector_load %arg13[%swap3A_591, %swap3A_592] {strides = array<i32>} : memref<64x64xf32, #tpu.memory_space<vmem>>, vector<1x16xf32>,
      %swap3A_594 = vector.shape_cast %swap3A_593 : vector<1x16xf32> to vector<16xf32>
      %swap3A_595 = vector.shape_cast %parallel_loop3A_535#5 : vector<16xf32> to vector<1x16xf32>
      tpu.vector_store %arg13[%swap3A_591, %swap3A_592], %swap3A_595 {strides = array<i32>} : memref<64x64xf32, #tpu.memory_space<vmem>>, vector<1x16xf32>,
      %add3A_596 = arith.constant 1 : i32
      %add3A_597 = arith.addi %mul3A_553, %add3A_596 : i32
      %swap3A_598 = arith.index_cast %add3A_597 : i32 to index
      %swap3A_599 = arith.constant 32 : index
      %swap3A_600 = tpu.vector_load %arg13[%swap3A_598, %swap3A_599] {strides = array<i32>} : memref<64x64xf32, #tpu.memory_space<vmem>>, vector<1x16xf32>,
      %swap3A_601 = vector.shape_cast %swap3A_600 : vector<1x16xf32> to vector<16xf32>
      %swap3A_602 = vector.shape_cast %parallel_loop3A_535#6 : vector<16xf32> to vector<1x16xf32>
      tpu.vector_store %arg13[%swap3A_598, %swap3A_599], %swap3A_602 {strides = array<i32>} : memref<64x64xf32, #tpu.memory_space<vmem>>, vector<1x16xf32>,
      %add3A_603 = arith.constant 1 : i32
      %add3A_604 = arith.addi %mul3A_553, %add3A_603 : i32
      %swap3A_605 = arith.index_cast %add3A_604 : i32 to index
      %swap3A_606 = arith.constant 48 : index
      %swap3A_607 = tpu.vector_load %arg13[%swap3A_605, %swap3A_606] {strides = array<i32>} : memref<64x64xf32, #tpu.memory_space<vmem>>, vector<1x16xf32>,
      %swap3A_608 = vector.shape_cast %swap3A_607 : vector<1x16xf32> to vector<16xf32>
      %swap3A_609 = vector.shape_cast %parallel_loop3A_535#7 : vector<16xf32> to vector<1x16xf32>
      tpu.vector_store %arg13[%swap3A_605, %swap3A_606], %swap3A_609 {strides = array<i32>} : memref<64x64xf32, #tpu.memory_space<vmem>>, vector<1x16xf32>,
      %jit3A_610 = arith.constant 32 : i32
      %eq3A_611 = arith.constant 0 : i32
      %eq3A_612 = arith.cmpi eq, %jit3A_610, %eq3A_611 : i32
      %jit3A_613 = arith.constant 1 : i32
      %select_n3A_614 = arith.select %eq3A_612, %jit3A_613, %jit3A_610 : i32
      %rem3A_615 = arith.remsi %add3A_491, %select_n3A_614 : i32
      %ne3A_616 = arith.constant 0 : i32
      %ne3A_617 = arith.cmpi ne, %rem3A_615, %ne3A_616 : i32
      %lt3A_618 = arith.constant 0 : i32
      %lt3A_619 = arith.cmpi slt, %rem3A_615, %lt3A_618 : i32
      %lt3A_620 = arith.constant 0 : i32
      %lt3A_621 = arith.cmpi slt, %select_n3A_614, %lt3A_620 : i32
      %ne3A_622 = arith.xori %lt3A_619, %lt3A_621 : i1
      %and3A_623 = arith.andi %ne3A_622, %ne3A_617 : i1
      %add3A_624 = arith.addi %rem3A_615, %select_n3A_614 : i32
      %select_n3A_625 = arith.select %and3A_623, %add3A_624, %rem3A_615 : i32
      %eq3A_626 = arith.constant 31 : i32
      %eq3A_627 = arith.cmpi eq, %select_n3A_625, %eq3A_626 : i32
      %convert_element_type3A_628 = arith.extui %eq3A_627 : i1 to i32
      %cond3A_629 = arith.constant 0 : i32
      %cond3A_630 = arith.cmpi ne, %convert_element_type3A_628, %cond3A_629 : i32
      scf.if %cond3A_630 {
        %add3A_632 = arith.constant 1 : i32
        %add3A_633 = arith.addi %add3A_491, %add3A_632 : i32
        %sub3A_634 = arith.constant 32 : i32
        %sub3A_635 = arith.subi %add3A_633, %sub3A_634 : i32
        %mul3A_636 = arith.constant 2 : i32
        %mul3A_637 = arith.muli %sub3A_635, %mul3A_636 : i32
        %add3A_638 = arith.addi %mul3A_2, %mul3A_637 : i32
        %multiple_of3A_639 = tpu.assume_multiple %add3A_638, 64 : i32
        "tpu.region"() ({
          %run_scoped3A = tpu.sem_alloc : memref<!tpu.dma_semaphore, #tpu.memory_space<semaphore_mem>>
          %dma_start3A_640 = arith.constant 0 : i32
          %dma_start3A_641 = tpu.memref_slice %arg4[%multiple_of3A_639, %dma_start3A_640] : memref<16384x64xf32, #tpu.memory_space<hbm>> -> memref<64x64xf32, #tpu.memory_space<hbm>>
          %dma_start3A_642 = arith.constant 0 : i32
          %dma_start3A_643 = tpu.memref_slice %arg4[%multiple_of3A_639, %dma_start3A_642] : memref<16384x64xf32, #tpu.memory_space<hbm>> -> memref<64x64xf32, #tpu.memory_space<hbm>>
          tpu.enqueue_dma source(%arg13 : memref<64x64xf32, #tpu.memory_space<vmem>>) target(%dma_start3A_643 : memref<64x64xf32, #tpu.memory_space<hbm>>) target_semaphore(%run_scoped3A : memref<!tpu.dma_semaphore, #tpu.memory_space<semaphore_mem>>)
          %dma_wait3A_644 = arith.constant 0 : i32
          %dma_wait3A_645 = tpu.memref_slice %arg4[%multiple_of3A_639, %dma_wait3A_644] : memref<16384x64xf32, #tpu.memory_space<hbm>> -> memref<64x64xf32, #tpu.memory_space<hbm>>
          %dma_wait3A_646 = arith.constant 0 : i32
          %dma_wait3A_647 = tpu.memref_slice %arg4[%multiple_of3A_639, %dma_wait3A_646] : memref<16384x64xf32, #tpu.memory_space<hbm>> -> memref<64x64xf32, #tpu.memory_space<hbm>>
          tpu.wait_dma2 semaphore(%run_scoped3A : memref<!tpu.dma_semaphore, #tpu.memory_space<semaphore_mem>>) src(%arg13 : memref<64x64xf32, #tpu.memory_space<vmem>>) dst(%dma_wait3A_647 : memref<64x64xf32, #tpu.memory_space<hbm>>)
          tpu.yield
        }) : () -> ()
      } else {
      }
      %scan3A_631 = arith.constant 0 : i32
      scf.yield %scan3A_631 : i32
    }
    %scan3A_69 = arith.constant 64 : i32
    return
  }
}

</mosaic_0001>

<sc_bundles>
// kernel: _sc_bow.3.cloned.1.call-start
scs
__scs_entry_jumppad:
0x0: {  	(pc) =	sbr.rel $0x88, $3  }
0x1: {  	(tag) =	ssettag $0x0;
	lr =	simm.s32 $0x1  }
0x2: {  	[smem:$0x3F9F] =	sst lr;
	_ =	strace $0xD0000000  }
0x3: {  	_ = 	snop  }
0x4: {  	_ = 	snop  }
0x5: {  	_ = 	snop  }
0x6: {  	_ = 	snop  }
0x7: {  	_ = 	snop  }
__scs_overlays_trampoline_lowered:
0x8: {  	[smem:$0x3FAE] =	sst s0  }
0x9: {  	[smem:$0x3FAF] =	sst s1  }
0xa: {  	[smem:$0x3FB0] =	sst s2  }
0xb: {  	[smem:$0x3FB1] =	sst s3  }
0xc: {  	[smem:$0x3FB2] =	sst s4  }
0xd: {  	[smem:$0x3FB3] =	sst s5  }
0xe: {  	[smem:$0x3FB4] =	sst s6  }
0xf: {  	[smem:$0x3FB5] =	sst s7  }
0x10: {  	[smem:$0x3FB6] =	sst s8  }
0x11: {  	[smem:$0x3FB7] =	sst s9;
	s0 =	simm.s32 @!p0 $0x0  }
0x12: {  	s1 =	sld [smem:$0x3F9D];
	s0 =	simm.s32 @p0 $0x1  }
0x13: {  	[smem:$0x3FB8] =	sst s0;
	s0 =	simm.s32 @!p1 $0x0  }
0x14: {  	s2 =	sld [smem:$0x3F9C];
	s0 =	simm.s32 @p1 $0x1  }
0x15: {  	[smem:$0x3FB9] =	sst s0;
	s0 =	simm.s32 @!p2 $0x0  }
0x16: {  	s3 =	sld [smem:$0x3FDB];
	s0 =	simm.s32 @p2 $0x1  }
0x17: {  	s4 =	simm.s32 $0x1BF5;
	[smem:$0x3FBB] =	sst s0  }
0x18: {  	s0 =	sld [smem:$0x3F9E];
	_ =	swait.ge [sflag:s4], $0x0  }
0x19: {  	s7 =	sld [smem:$0x3F9F]  }
0x1a: {  	s8 =	sadd.s32 $0xFFFFE003, lr  }
0x1b: {  	s9 =	sadd.s32 $0xFFFFFEF7, lr;
	s5 =	simm.s32 $0xFFFFFFFF;
	p2 =	slt.u32 s8, $0xFFFFF086  }
0x1c: {  	p1 =	slt.u32 s9, $0xF7A;
	s5 =	simm.s32 @!p2 $0x0  }
0x1d: {  	s5 =	simm.s32 @p1 $0x1;
	p0 =	seq.s32 s7, s2  }
0x1e: {  	s7 =	smul.u32 @!p0 $0xF7A, s2;
	p2 =	seq.s32 @!p0 s5, $0x0  }
0x1f: {  	s9 =	smul.u32 $0xF7A, s1;
	s8 =	simm.s32 @!p0 $0x1BF5;
	p2 =	por !p2, p0  }
0x20: {  	[sflag:s8] =	ssyncset.s32 @!p0 $0xFFFFF086;
	s6 =	sadd.s32 @!p0 s3, s7;
	s7 =	simm.s32 @!p0 $0x108  }
0x21: {  	s3 =	sadd.s32 s3, s9;
	s6 =	sadd.s32 @!p0 $0x88, s6;
	s7 =	simm.s32 @p2 $0x1082  }
0x22: {  	[simem:s7], [sflag:s8] =	dma.local @!p0 [hbm:s6], $0xF7A  }
0x23: {  	s9 =	sor.u32 $0xD0000000, s2;
	s6 =	simm.s32 $0x108;
	_ =	swait.ge @!p0 [sflag:s8], $0x0  }
0x24: {  	s3 =	sadd.s32 $0x88, s3;
	s6 =	simm.s32 @!p1 $0x1082;
	[sflag:s4] =	ssyncset.s32 $0xFFFFF086  }
0x25: {  	[simem:s6], [sflag:s4] =	dma.local [hbm:s3], $0xF7A  }
0x26: {  	[smem:$0x3F9F] =	sst s1;
	(tag) =	ssettag s2;
	_ =	strace s9  }
0x27: {  	s1 =	sld [smem:$0x3FAF]  }
0x28: {  	s2 =	sld [smem:$0x3FB0]  }
0x29: {  	s4 =	sld [smem:$0x3FB2]  }
0x2a: {  	p0 =	seq.s32 s5, $0x0;
	s5 =	sld [smem:$0x3FB3]  }
0x2b: {  	s6 =	sld [smem:$0x3FB4]  }
0x2c: {  	s7 =	sld [smem:$0x3FB5]  }
0x2d: {  	s3 =	simm.s32 $0x108;
	s8 =	sld [smem:$0x3FB6]  }
0x2e: {  	s3 =	simm.s32 @!p0 $0x1082;
	s9 =	sld [smem:$0x3FB7]  }
0x2f: {  	lr =	sadd.s32 s0, s3;
	s0 =	sld [smem:$0x3FAE]  }
0x30: {  	s3 =	sld [smem:$0x3FB1]  }
0x31: {  	[smem:$0x3FBA] =	sst s10  }
0x32: {  	s10 =	sld [smem:$0x3FB8];
	_ =	sdelay $0x3  }
0x33: {  	p0 =	seq.s32 s10, $0x1;
	s10 =	sld [smem:$0x3FBA];
	_ =	sdelay $0x3  }
0x34: {  	[smem:$0x3FBA] =	sst s10  }
0x35: {  	s10 =	sld [smem:$0x3FB9];
	_ =	sdelay $0x3  }
0x36: {  	p1 =	seq.s32 s10, $0x1;
	s10 =	sld [smem:$0x3FBA];
	_ =	sdelay $0x3  }
0x37: {  	[smem:$0x3FBA] =	sst s10  }
0x38: {  	s10 =	sld [smem:$0x3FBB]  }
0x39: {  	_ = 	snop;
	(pc) =	sbr.ind lr, $3  }
0x3a: {  	_ = 	snop  }
0x3b: {  	_ = 	snop  }
0x3c: {  	p2 =	seq.s32 s10, $0x1;
	s10 =	sld [smem:$0x3FBA]  }
0x3d: {  	_ =	shalt  }
0x3e: {  	_ =	shalt  }
0x3f: {  	_ =	shalt  }
0x40: {  	_ =	shalt  }
0x41: {  	_ =	shalt  }
0x42: {  	_ =	shalt  }
0x43: {  	_ =	shalt  }
0x44: {  	_ =	shalt  }
0x45: {  	_ =	shalt  }
0x46: {  	_ =	shalt  }
0x47: {  	_ =	shalt  }
0x48: {  	_ =	shalt  }
0x49: {  	_ =	shalt  }
0x4a: {  	_ =	shalt  }
0x4b: {  	_ =	shalt  }
0x4c: {  	_ =	shalt  }
0x4d: {  	_ =	shalt  }
0x4e: {  	_ =	shalt  }
0x4f: {  	_ =	shalt  }
0x50: {  	_ =	shalt  }
0x51: {  	_ =	shalt  }
0x52: {  	_ =	shalt  }
0x53: {  	_ =	shalt  }
0x54: {  	_ =	shalt  }
0x55: {  	_ =	shalt  }
0x56: {  	_ =	shalt  }
0x57: {  	_ =	shalt  }
0x58: {  	_ =	shalt  }
0x59: {  	_ =	shalt  }
0x5a: {  	_ =	shalt  }
0x5b: {  	_ =	shalt  }
0x5c: {  	_ =	shalt  }
0x5d: {  	_ =	shalt  }
0x5e: {  	_ =	shalt  }
0x5f: {  	_ =	shalt  }
0x60: {  	_ =	shalt  }
0x61: {  	_ =	shalt  }
0x62: {  	_ =	shalt  }
0x63: {  	_ =	shalt  }
0x64: {  	_ =	shalt  }
0x65: {  	_ =	shalt  }
0x66: {  	_ =	shalt  }
0x67: {  	_ =	shalt  }
0x68: {  	_ =	shalt  }
0x69: {  	_ =	shalt  }
0x6a: {  	_ =	shalt  }
0x6b: {  	_ =	shalt  }
0x6c: {  	_ =	shalt  }
0x6d: {  	_ =	shalt  }
0x6e: {  	_ =	shalt  }
0x6f: {  	_ =	shalt  }
0x70: {  	_ =	shalt  }
0x71: {  	_ =	shalt  }
0x72: {  	_ =	shalt  }
0x73: {  	_ =	shalt  }
0x74: {  	_ =	shalt  }
0x75: {  	_ =	shalt  }
0x76: {  	_ =	shalt  }
0x77: {  	_ =	shalt  }
0x78: {  	_ =	shalt  }
0x79: {  	_ =	shalt  }
0x7a: {  	_ =	shalt  }
0x7b: {  	_ =	shalt  }
0x7c: {  	_ =	shalt  }
0x7d: {  	_ =	shalt  }
0x7e: {  	_ =	shalt  }
0x7f: {  	_ =	shalt  }
0x80: {  	_ =	shalt  }
0x81: {  	_ =	shalt  }
0x82: {  	_ =	shalt  }
0x83: {  	_ =	shalt  }
0x84: {  	_ =	shalt  }
0x85: {  	_ =	shalt  }
0x86: {  	_ =	shalt  }
0x87: {  	_ =	shalt  }
.Lfunc_end0:
.L_simem_size_0:
called_computation_lowered:
.L_overlay_start_0:
0x88: {  	s2 =	sld [smem:$0x3FD9]  }
0x89: {  	s3 =	sld [smem:$0x3FFE];
	_ =	sdelay $0x1  }
0x8a: {  	s1 =	srdreg.scid  }
0x8b: {  	s0 =	sand.u32 $0x1, s1  }
0x8c: {  	s17 =	sshll.u32 s0, $0xA;
	s2 =	sadd.s32 s3, s2  }
0x8d: {  	s2 =	sadd.s32 s2, s17  }
0x8e: {  	[smem:$0x3FC6] =	sst s2  }
0x8f: {  	_ = 	snop  }
0x90: {  	s2 =	sld [smem:$0x3FC8]  }
0x91: {  	s18 =	sld [smem:$0x3FD0];
	(tm) =	ssettm $0x1  }
0x92: {  	s4 =	sld [smem:$0x3FFB];
	_ =	sdelay $0x3  }
0x93: {  	_ =	strace s4  }
0x94: {  	s4 =	sld [smem:$0x3FFC];
	_ =	sdelay $0x3  }
0x95: {  	_ =	strace s4  }
0x96: {  	s4 =	sld [smem:$0x3FFD];
	_ =	sdelay $0x3  }
0x97: {  	_ =	strace s4  }
0x98: {  	_ =	strace $0x8FFFFFFF  }
0x99: {  	s19 =	sld [smem:$0x3FDB];
	_ =	sdelay $0x1  }
0x9a: {  	s5 =	simm.s32 $_scs_section_size  }
0x9b: {  	s6 =	simm.s32 $_size__tile_overlayer_lowered;
	s7 =	simm.s32 $_tile_overlayer_lowered  }
0x9c: {  	s22 =	simm.s32 $0x1BFF;
	s21 =	sshll.u32 s7, $0x1;
	s4 =	sadd.s32 s5, s19  }
0x9d: {  	s8 =	simm.s32 $0x0;
	s20 =	sshll.u32 s6, $0x1;
	s6 =	sadd.s32 s21, s4  }
0x9e: {  	[timem:s8], [sflag:s22] =	dma.local [hbm:s6], s20  }
0x9f: {  	_ =	swait.ge [sflag:s22], s20  }
0xa0: {  	s5 =	ssub.s32 $0x0, s20;
	[sflag:s22] =	ssyncset.done $0x0  }
0xa1: {  	[sflag:s22] =	ssyncadd.s32 s5;
	_ =	sdelay $0x1  }
0xa2: {  	s23 =	simm.s32 $0x1B8B  }
0xa3: {  	_ =	swait.ge [sflag:s23], $0x1  }
0xa4: {  	[sflag:s23] =	ssyncset.done $0x0  }
0xa5: {  	s25 =	simm.s32 $0x1B8E;
	s24 =	sld [smem:$0x3FFE];
	[sflag:s23] =	ssyncadd.s32 $0xFFFFFFFF  }
0xa6: {  	s26 =	simm.s32 $execute0_lowered;
	[smem:$0x3FD2] =	sst s25  }
0xa7: {  	s6 =	sshll.u32 s26, $0x1;
	_ =	strace $0x80000046;
	[dreg:$0x1] =	wrdreg $0xFFFFFFFF  }
0xa8: {  	s28 =	simm.s32 $_size_execute0_lowered;
	s4 =	sadd.s32 s4, s6;
	[dreg:$0x0] =	wrdreg $0x0  }
0xa9: {  	s6 =	sshll.u32 s28, $0x1;
	[dreg:$0x2] =	wrdreg s4  }
0xaa: {  	[dreg:$0x3] =	wrdreg s6  }
0xab: {  	[dreg:$0x4] =	wrdreg $0xC0  }
0xac: {  	_ =	task [dreg:s8], $0x5FFFF  }
0xad: {  	[dreg:$0x1] =	wrdreg $0xFFFFFFFF  }
0xae: {  	[dreg:$0x0] =	wrdreg $0x60  }
0xaf: {  	[dreg:$0x2] =	wrdreg s24  }
0xb0: {  	[dreg:$0x3] =	wrdreg s2  }
0xb1: {  	[dreg:$0x4] =	wrdreg s18  }
0xb2: {  	[dreg:$0x5] =	wrdreg $0x9  }
0xb3: {  	_ =	task.clear_ibuf [dreg:s8], $0x6FFFF;
	_ =	strace $0x90000046  }
0xb4: {  	s29 =	simm.s32 $0x9;
	_ =	strace $0x80000048  }
0xb5: {  	_ =	swait.ge [sflag:s29], $0x1  }
0xb6: {  	[sflag:s29] =	ssyncadd.s32 $0xFFFFFFFF  }
0xb7: {  	_ =	strace $0x90000048  }
0xb8: {  	_ =	sfence  }
0xb9: {  	s30 =	sld [smem:$0x0];
	_ =	sdelay $0x2  }
0xba: {  	s31 =	sshll.u32 s1, $0xD;
	s1 =	sshrl.u32 s1, $0x2  }
0xbb: {  	s3 =	sand.u32 $0x4000, s31;
	s1 =	sadd.s32 s1, s30  }
0xbc: {  	s0 =	sor.u32 s3, s0;
	s1 =	sshll.u32 s1, $0x11  }
0xbd: {  	s0 =	sor.u32 s1, s0  }
0xbe: {  	s0 =	sadd.s32 $0x8F2B, s0  }
0xbf: {  	[sflag:s0] =	ssyncadd.remote.s32 $0x1  }
0xc0: {  	_ =	sfence.sel $0xFFFF  }
0xc1: {  	[dreg:$0x0] =	wrdreg $0xFFFFFFFF;
	(pc) =	sbr.abs _section_cstart, $3  }
0xc2: {  	[dreg:$0x1] =	wrdreg $0xFFFFFFFF  }
0xc3: {  	_ =	task.clear_ibuf [dreg:s8], $0x2FFFF;
	_ =	strace $0x9FFFFFFF  }
0xc4: {  	(tm) =	ssettm $0x7FFFFFFF  }
0xc5: {  	_ =	shalt  }
tec
execute0_lowered:
.L_overlay_start_1:
0x0: {  	(tag) =	ssettag $0x1  }
0x1: {  	s0 =	rddreg [dreg:$0x0]  }
0x2: {  	s2 =	rddreg [dreg:$0x1];
	s1 =	srdreg.scid  }
0x3: {  	s4 =	stileid.u32;
	s3 =	rddreg [dreg:$0x2]  }
0x4: {  	s16 =	simm.s32 $0x1;
	s17 =	simm.s32 $0x190;
	s19 =	simm.s32 $0x2  }
0x5: {  	s22 =	simm.s32 $0x3;
	s28 =	simm.s32 $0x13240;
	s29 =	simm.s32 $0x6  }
0x6: {  	s30 =	simm.s32 $0x7;
	s1 =	sand.u32 $0x1, s1;
	s5 =	sshll.u32 s4, $0x1  }
0x7: {  	s31 =	simm.s32 $0x8;
	s4 =	simm.s32 $0x0;
	s6 =	sor.u32 s1, s5  }
0x8: {  	[smem:$0x7FF] =	sst s4;
	s1 =	ssub.s32 $0x2, s1;
	s7 =	smul.u32 $0x3200, s6  }
0x9: {  	s5 =	sadd.s32 $0xF42800, s0;
	_ =	strace $0x80000047;
	s23 =	sshrl.u32 s1, $0x1  }
0xa: {  	s6 =	sshll.u32 s6, $0x9;
	s0 =	ssub.s32 s1, s23;
	s7 =	sadd.s32 s2, s7  }
0xb: {  	s11 =	sor.u32 $0x8, s6;
	s12 =	sor.u32 $0xA, s6;
	s24 =	sadd.s32 $0x32, s7  }
0xc: {  	s13 =	sor.u32 $0xC, s6;
	s25 =	sadd.s32 $0x64, s7;
	[dreg:$0x4] =	wrdreg s24  }
0xd: {  	s14 =	sor.u32 $0xE, s6;
	s26 =	sadd.s32 $0x96, s7;
	[dreg:$0x5] =	wrdreg s25  }
0xe: {  	s1 =	simm.s32 $0x0;
	s15 =	smax.u32 s0, $0x1;
	[dreg:$0x6] =	wrdreg s26  }
0xf: {  	s24 =	simm.s32 $0x4B0;
	s25 =	simm.s32 $0x5;
	s26 =	simm.s32 $0x4  }
.LBB2_1:
0x10: {  	[tilespmem:s4], [sflag:$0x1] =	stream.linear.gather [hbm4b:s7+s4], $0x190, $0x38;
	[tilespmem:$0x1A640] =	vst v63  }
0x11: {  	_ =	swait.ge [sflag:s16], $0x190  }
0x12: {  	[sflag:s16] =	ssyncset.done $0x0  }
0x13: {  	s0 =	simm.s32 $0x640;
	[sflag:s16] =	ssyncadd.s32 $0xFFFFFE70  }
0x14: {  	[tilespmem:s0], [sflag:$0x5] =	stream.indirect.gather [hbm4b:s5+s17], $0x40, s4, s17, $0xb8;
	[tilespmem:$0x1A640] =	vst v63  }
0x15: {  	s10 =	rddreg [dreg:$0x4]  }
0x16: {  	[tilespmem:s17], [sflag:$0x2] =	stream.linear.gather [hbm4b:s10+s4], $0x190, $0x38;
	[tilespmem:$0x1A640] =	vst v63  }
0x17: {  	_ =	swait.ge [sflag:s19], $0x190  }
0x18: {  	[sflag:s19] =	ssyncset.done $0x0  }
0x19: {  	s18 =	simm.s32 $0x6A40;
	[sflag:s19] =	ssyncadd.s32 $0xFFFFFE70  }
0x1a: {  	[tilespmem:s18], [sflag:$0x6] =	stream.indirect.gather [hbm4b:s5+s17], $0x40, s17, s17, $0xb8;
	[tilespmem:$0x1A640] =	vst v63  }
0x1b: {  	s8 =	simm.s32 $0x320;
	s20 =	rddreg [dreg:$0x5]  }
0x1c: {  	[tilespmem:s8], [sflag:$0x3] =	stream.linear.gather [hbm4b:s20+s4], $0x190, $0x38;
	[tilespmem:$0x1A640] =	vst v63  }
0x1d: {  	_ =	swait.ge [sflag:s22], $0x190  }
0x1e: {  	[sflag:s22] =	ssyncset.done $0x0  }
0x1f: {  	s21 =	simm.s32 $0xCE40;
	[sflag:s22] =	ssyncadd.s32 $0xFFFFFE70  }
0x20: {  	[tilespmem:s21], [sflag:$0x7] =	stream.indirect.gather [hbm4b:s5+s17], $0x40, s8, s17, $0xb8;
	[tilespmem:$0x1A640] =	vst v63  }
0x21: {  	s0 =	simm.s32 $0x0;
	s23 =	rddreg [dreg:$0x6]  }
0x22: {  	[tilespmem:s24], [sflag:$0x4] =	stream.linear.gather [hbm4b:s23+s4], $0x190, $0x38;
	[tilespmem:$0x1A640] =	vst v63  }
.LBB2_2:
0x23: {  	_ =	swait.ge [sflag:s25], $0x6400  }
0x24: {  	[sflag:s25] =	ssyncset.done $0x0  }
0x25: {  	p0 =	seq.s32 s0, $0x3F;
	[sflag:s25] =	ssyncadd.s32 $0xFFFF9C00  }
0x26: {  	s8 =	sshll.u32 @!p0 s0, $0x3;
	_ =	swait.ge [sflag:s26], $0x190  }
0x27: {  	s8 =	sadd.s32 @!p0 s8, s11;
	[sflag:s26] =	ssyncset.done $0x0  }
0x28: {  	s8 =	smul.u32 @!p0 $0x19, s8;
	[sflag:s26] =	ssyncadd.s32 $0xFFFFFE70  }
0x29: {  	[tilespmem:s28], [sflag:$0x8] =	stream.indirect.gather [hbm4b:s5+s17], $0x40, s24, s17, $0xb8;
	[tilespmem:$0x1A640] =	vst v63  }
0x2a: {  	s23 =	simm.s32 $0x20;
	s9 =	simm.s32 @!p0 $0x0;
	s8 =	sadd.s32 @!p0 s2, s8  }
0x2b: {  	[tilespmem:s9], [sflag:$0x1] =	stream.linear.gather @!p0 [hbm4b:s8+s9], $0x190, $0x38;
	[tilespmem:$0x1A640] =	vst v63  }
0x2c: {  	v0 =	vld [tilespmem:s23+$0x3850]  }
0x2d: {  	v2 =	vld [tilespmem:s23+$0x620]  }
0x2e: {  	v3 =	vld [tilespmem:s23+$0x630]  }
0x2f: {  	v12 =	vld [tilespmem:s23+$0x640]  }
0x30: {  	v10 =	vld [tilespmem:s23+$0x650]  }
0x31: {  	v1 =	vimm.f32 $0.0e+00;
	v6 =	vimm.f32 $0.0e+00;
	v4 =	vld [tilespmem:s23+$0x3820]  }
0x32: {  	v9 =	vimm.f32 $0.0e+00;
	v5 =	vimm.f32 $0.0e+00;
	v7 =	vld [tilespmem:s23+$0x3830];
	v0 =	vadd.f32 v0, v1  }
0x33: {  	s18 =	sshll.u32 s0, $0x2;
	s20 =	simm.s32 $0x60;
	s8 =	simm.s32 $0x280;
	v11 =	vld [tilespmem:s23+$0x3840];
	v8 =	vadd.f32 v2, v1;
	v3 =	vadd.f32 v3, v1;
	v2 =	vimm.f32 $0.0e+00  }
.LBB2_3:
0x34: {  	p1 =	sne.s32 s8, $0xC780;
	v13 =	vld [tilespmem:s20+$0x3850];
	v1 =	vadd.f32 v12, v1  }
0x35: {  	v14 =	vld [tilespmem:s20+$0x620];
	v6 =	vadd.f32 v10, v6  }
0x36: {  	v15 =	vld [tilespmem:s20+$0x630];
	v9 =	vadd.f32 v4, v9  }
.Ltmp0:
0x37: {  	v12 =	vld [tilespmem:s20+$0x640];
	v5 =	vadd.f32 v7, v5;
	(pc) =	sbr.rel @p1 .LBB2_3-.Ltmp0, $4  }
0x38: {  	v10 =	vld [tilespmem:s20+$0x650];
	v2 =	vadd.f32 v11, v2  }
0x39: {  	v4 =	vld [tilespmem:s20+$0x3820];
	v0 =	vadd.f32 v13, v0  }
0x3a: {  	v8 =	vadd.f32 v14, v8;
	v7 =	vld [tilespmem:s20+$0x3830]  }
0x3b: {  	v3 =	vadd.f32 v15, v3;
	v11 =	vld [tilespmem:s20+$0x3840];
	s20 =	sshra.s32 s8, $0x2;
	s8 =	sadd.s32 $0x100, s8  }
0x3c: {  	v14 =	vld [tilespmem:s20+$0x620]  }
0x3d: {  	v15 =	vld [tilespmem:s20+$0x630]  }
0x3e: {  	v16 =	vld [tilespmem:s20+$0x640]  }
0x3f: {  	v17 =	vld [tilespmem:s20+$0x650]  }
0x40: {  	v13 =	vld [tilespmem:s20+$0x3850];
	v1 =	vadd.f32 v12, v1  }
0x41: {  	s8 =	sshll.u32 s0, $0x9;
	v6 =	vadd.f32 v10, v6;
	v10 =	vld [tilespmem:s20+$0x3840];
	v8 =	vadd.f32 v14, v8  }
0x42: {  	v18 =	vld [tilespmem:s20+$0x3820];
	s23 =	sand.u32 $0xE00, s8;
	v3 =	vadd.f32 v15, v3  }
0x43: {  	v12 =	vld [tilespmem:s20+$0x3830];
	v1 =	vadd.f32 v16, v1;
	[tilespmem:s23+$0x19640] =	vst v8  }
0x44: {  	v2 =	vadd.f32 v11, v2;
	v6 =	vadd.f32 v17, v6;
	[tilespmem:s23+$0x19650] =	vst v3  }
0x45: {  	v4 =	vadd.f32 v4, v9;
	v0 =	vadd.f32 v13, v0;
	[tilespmem:s23+$0x19660] =	vst v1  }
0x46: {  	v5 =	vadd.f32 v7, v5;
	v2 =	vadd.f32 v10, v2;
	[tilespmem:s23+$0x19670] =	vst v6  }
0x47: {  	v3 =	vadd.f32 v18, v4;
	[tilespmem:s23+$0x196B0] =	vst v0  }
0x48: {  	v1 =	vadd.f32 v12, v5;
	[tilespmem:s23+$0x196A0] =	vst v2  }
0x49: {  	[tilespmem:s23+$0x19680] =	vst v3  }
0x4a: {  	[tilespmem:s23+$0x19690] =	vst v1  }
0x4b: {  	_ =	swait.ge [sflag:s29], $0x6400  }
0x4c: {  	[sflag:s29] =	ssyncset.done $0x0  }
0x4d: {  	s8 =	simm.s32 @!p0 $0x1;
	[sflag:s29] =	ssyncadd.s32 $0xFFFF9C00  }
0x4e: {  	s10 =	simm.s32 @!p0 $0x0;
	s20 =	sshll.u32 s0, $0x3;
	_ =	swait.ge @!p0 [sflag:s8], $0x190  }
0x4f: {  	s21 =	simm.s32 @!p0 $0x640;
	s9 =	sadd.s32 @!p0 s20, s12;
	[sflag:s8] =	ssyncset.done @!p0 $0x0  }
0x50: {  	s9 =	smul.u32 @!p0 $0x19, s9;
	[sflag:s8] =	ssyncadd.s32 @!p0 $0xFFFFFE70;
	s8 =	simm.s32 @!p0 $0x190  }
0x51: {  	[tilespmem:s21], [sflag:$0x5] =	stream.indirect.gather @!p0 [hbm4b:s5+s8], $0x40, s10, s8, $0xb8;
	[tilespmem:$0x1A640] =	vst v63  }
0x52: {  	s9 =	sadd.s32 @!p0 s2, s9;
	s21 =	simm.s32 $0x20  }
0x53: {  	[tilespmem:s8], [sflag:$0x2] =	stream.linear.gather @!p0 [hbm4b:s9+s10], $0x190, $0x38;
	[tilespmem:$0x1A640] =	vst v63  }
0x54: {  	v0 =	vld [tilespmem:s21+$0x9C50]  }
0x55: {  	v2 =	vld [tilespmem:s21+$0x6A20]  }
0x56: {  	v3 =	vld [tilespmem:s21+$0x6A30]  }
0x57: {  	v11 =	vld [tilespmem:s21+$0x6A40]  }
0x58: {  	v10 =	vld [tilespmem:s21+$0x6A50]  }
0x59: {  	v6 =	vimm.f32 $0.0e+00;
	v1 =	vimm.f32 $0.0e+00;
	v7 =	vld [tilespmem:s21+$0x9C20]  }
0x5a: {  	v8 =	vimm.f32 $0.0e+00;
	v4 =	vimm.f32 $0.0e+00;
	v9 =	vld [tilespmem:s21+$0x9C30];
	v0 =	vadd.f32 v0, v1  }
0x5b: {  	s8 =	simm.s32 $0x60;
	s9 =	simm.s32 $0x280;
	v12 =	vld [tilespmem:s21+$0x9C40];
	v5 =	vadd.f32 v2, v1;
	v3 =	vadd.f32 v3, v1;
	v2 =	vimm.f32 $0.0e+00  }
.LBB2_5:
0x5c: {  	p1 =	sne.s32 s9, $0xC780;
	v13 =	vld [tilespmem:s8+$0x9C50];
	v1 =	vadd.f32 v11, v1  }
0x5d: {  	v14 =	vld [tilespmem:s8+$0x6A20];
	v6 =	vadd.f32 v10, v6  }
0x5e: {  	v15 =	vld [tilespmem:s8+$0x6A30];
	v8 =	vadd.f32 v7, v8  }
.Ltmp1:
0x5f: {  	v11 =	vld [tilespmem:s8+$0x6A40];
	v4 =	vadd.f32 v9, v4;
	(pc) =	sbr.rel @p1 .LBB2_5-.Ltmp1, $4  }
0x60: {  	v10 =	vld [tilespmem:s8+$0x6A50];
	v2 =	vadd.f32 v12, v2  }
0x61: {  	v7 =	vld [tilespmem:s8+$0x9C20];
	v0 =	vadd.f32 v13, v0  }
0x62: {  	v5 =	vadd.f32 v14, v5;
	v9 =	vld [tilespmem:s8+$0x9C30]  }
0x63: {  	v3 =	vadd.f32 v15, v3;
	v12 =	vld [tilespmem:s8+$0x9C40];
	s8 =	sshra.s32 s9, $0x2;
	s9 =	sadd.s32 $0x100, s9  }
0x64: {  	v14 =	vld [tilespmem:s8+$0x6A20]  }
0x65: {  	v15 =	vld [tilespmem:s8+$0x6A30]  }
0x66: {  	v16 =	vld [tilespmem:s8+$0x6A40]  }
0x67: {  	v13 =	vld [tilespmem:s8+$0x9C50]  }
0x68: {  	v6 =	vadd.f32 v10, v6;
	v10 =	vld [tilespmem:s8+$0x9C40]  }
0x69: {  	v17 =	vld [tilespmem:s8+$0x6A50];
	v1 =	vadd.f32 v11, v1;
	v5 =	vadd.f32 v14, v5  }
0x6a: {  	v18 =	vld [tilespmem:s8+$0x9C20];
	v3 =	vadd.f32 v15, v3  }
0x6b: {  	v11 =	vld [tilespmem:s8+$0x9C30];
	v2 =	vadd.f32 v12, v2;
	v1 =	vadd.f32 v16, v1;
	[tilespmem:s23+$0x196C0] =	vst v5  }
0x6c: {  	v0 =	vadd.f32 v13, v0;
	[tilespmem:s23+$0x196D0] =	vst v3  }
0x6d: {  	v7 =	vadd.f32 v7, v8;
	v2 =	vadd.f32 v10, v2;
	[tilespmem:s23+$0x196E0] =	vst v1  }
0x6e: {  	v4 =	vadd.f32 v9, v4;
	v5 =	vadd.f32 v17, v6;
	[tilespmem:s23+$0x19730] =	vst v0  }
0x6f: {  	v3 =	vadd.f32 v18, v7;
	[tilespmem:s23+$0x19720] =	vst v2  }
0x70: {  	v1 =	vadd.f32 v11, v4;
	[tilespmem:s23+$0x196F0] =	vst v5  }
0x71: {  	[tilespmem:s23+$0x19700] =	vst v3  }
0x72: {  	[tilespmem:s23+$0x19710] =	vst v1  }
0x73: {  	_ =	swait.ge [sflag:s30], $0x6400  }
0x74: {  	[sflag:s30] =	ssyncset.done $0x0  }
0x75: {  	s8 =	simm.s32 @!p0 $0x2;
	[sflag:s30] =	ssyncadd.s32 $0xFFFF9C00  }
0x76: {  	_ =	swait.ge @!p0 [sflag:s8], $0x190  }
0x77: {  	[sflag:s8] =	ssyncset.done @!p0 $0x0  }
0x78: {  	s9 =	simm.s32 @!p0 $0x190;
	[sflag:s8] =	ssyncadd.s32 @!p0 $0xFFFFFE70;
	s8 =	sadd.s32 @!p0 s20, s13  }
0x79: {  	s10 =	simm.s32 @!p0 $0x6A40;
	s21 =	simm.s32 $0x20;
	s8 =	smul.u32 @!p0 $0x19, s8  }
0x7a: {  	[tilespmem:s10], [sflag:$0x6] =	stream.indirect.gather @!p0 [hbm4b:s5+s9], $0x40, s9, s9, $0xb8;
	[tilespmem:$0x1A640] =	vst v63  }
0x7b: {  	s9 =	simm.s32 @!p0 $0x0;
	s10 =	simm.s32 @!p0 $0x320;
	s8 =	sadd.s32 @!p0 s2, s8  }
0x7c: {  	[tilespmem:s10], [sflag:$0x3] =	stream.linear.gather @!p0 [hbm4b:s8+s9], $0x190, $0x38;
	[tilespmem:$0x1A640] =	vst v63  }
0x7d: {  	v0 =	vld [tilespmem:s21+$0x10050]  }
0x7e: {  	v2 =	vld [tilespmem:s21+$0xCE20]  }
0x7f: {  	v3 =	vld [tilespmem:s21+$0xCE30]  }
0x80: {  	v11 =	vld [tilespmem:s21+$0xCE40]  }
0x81: {  	v10 =	vld [tilespmem:s21+$0xCE50]  }
0x82: {  	v8 =	vimm.f32 $0.0e+00;
	v1 =	vimm.f32 $0.0e+00;
	v7 =	vld [tilespmem:s21+$0x10020]  }
0x83: {  	v6 =	vimm.f32 $0.0e+00;
	v4 =	vimm.f32 $0.0e+00;
	v9 =	vld [tilespmem:s21+$0x10030];
	v0 =	vadd.f32 v0, v1  }
0x84: {  	s8 =	simm.s32 $0x60;
	s9 =	simm.s32 $0x280;
	v12 =	vld [tilespmem:s21+$0x10040];
	v5 =	vadd.f32 v2, v1;
	v3 =	vadd.f32 v3, v1;
	v2 =	vimm.f32 $0.0e+00  }
.LBB2_7:
0x85: {  	p1 =	sne.s32 s9, $0xC780;
	v13 =	vld [tilespmem:s8+$0x10050];
	v1 =	vadd.f32 v11, v1  }
0x86: {  	v14 =	vld [tilespmem:s8+$0xCE20];
	v6 =	vadd.f32 v10, v6  }
0x87: {  	v15 =	vld [tilespmem:s8+$0xCE30];
	v8 =	vadd.f32 v7, v8  }
.Ltmp2:
0x88: {  	v11 =	vld [tilespmem:s8+$0xCE40];
	v4 =	vadd.f32 v9, v4;
	(pc) =	sbr.rel @p1 .LBB2_7-.Ltmp2, $4  }
0x89: {  	v10 =	vld [tilespmem:s8+$0xCE50];
	v2 =	vadd.f32 v12, v2  }
0x8a: {  	v7 =	vld [tilespmem:s8+$0x10020];
	v0 =	vadd.f32 v13, v0  }
0x8b: {  	v5 =	vadd.f32 v14, v5;
	v9 =	vld [tilespmem:s8+$0x10030]  }
0x8c: {  	v3 =	vadd.f32 v15, v3;
	v12 =	vld [tilespmem:s8+$0x10040];
	s8 =	sshra.s32 s9, $0x2;
	s9 =	sadd.s32 $0x100, s9  }
0x8d: {  	v14 =	vld [tilespmem:s8+$0xCE20]  }
0x8e: {  	v15 =	vld [tilespmem:s8+$0xCE30]  }
0x8f: {  	v16 =	vld [tilespmem:s8+$0xCE40]  }
0x90: {  	v13 =	vld [tilespmem:s8+$0x10050]  }
0x91: {  	v6 =	vadd.f32 v10, v6;
	v10 =	vld [tilespmem:s8+$0x10040]  }
0x92: {  	v17 =	vld [tilespmem:s8+$0xCE50];
	v1 =	vadd.f32 v11, v1;
	v5 =	vadd.f32 v14, v5  }
0x93: {  	v18 =	vld [tilespmem:s8+$0x10020];
	v3 =	vadd.f32 v15, v3  }
0x94: {  	v11 =	vld [tilespmem:s8+$0x10030];
	v2 =	vadd.f32 v12, v2;
	v1 =	vadd.f32 v16, v1;
	[tilespmem:s23+$0x19740] =	vst v5  }
0x95: {  	v0 =	vadd.f32 v13, v0;
	[tilespmem:s23+$0x19750] =	vst v3  }
0x96: {  	v7 =	vadd.f32 v7, v8;
	v2 =	vadd.f32 v10, v2;
	[tilespmem:s23+$0x19760] =	vst v1  }
0x97: {  	v4 =	vadd.f32 v9, v4;
	v5 =	vadd.f32 v17, v6;
	[tilespmem:s23+$0x197B0] =	vst v0  }
0x98: {  	v3 =	vadd.f32 v18, v7;
	[tilespmem:s23+$0x197A0] =	vst v2  }
0x99: {  	v1 =	vadd.f32 v11, v4;
	[tilespmem:s23+$0x19770] =	vst v5  }
0x9a: {  	[tilespmem:s23+$0x19780] =	vst v3  }
0x9b: {  	[tilespmem:s23+$0x19790] =	vst v1  }
0x9c: {  	_ =	swait.ge [sflag:s31], $0x6400  }
0x9d: {  	[sflag:s31] =	ssyncset.done $0x0  }
0x9e: {  	s8 =	simm.s32 @!p0 $0x3;
	[sflag:s31] =	ssyncadd.s32 $0xFFFF9C00  }
0x9f: {  	s9 =	sadd.s32 @!p0 s20, s14;
	_ =	swait.ge @!p0 [sflag:s8], $0x190  }
0xa0: {  	s10 =	simm.s32 @!p0 $0x320;
	s21 =	simm.s32 @!p0 $0xCE40;
	[sflag:s8] =	ssyncset.done @!p0 $0x0  }
0xa1: {  	s9 =	smul.u32 @!p0 $0x19, s9;
	[sflag:s8] =	ssyncadd.s32 @!p0 $0xFFFFFE70;
	s8 =	simm.s32 @!p0 $0x190  }
0xa2: {  	[tilespmem:s21], [sflag:$0x7] =	stream.indirect.gather @!p0 [hbm4b:s5+s8], $0x40, s10, s8, $0xb8;
	[tilespmem:$0x1A640] =	vst v63  }
0xa3: {  	s8 =	sadd.s32 @!p0 s2, s9  }
0xa4: {  	s9 =	simm.s32 @!p0 $0x0;
	s10 =	simm.s32 @!p0 $0x4B0;
	s21 =	simm.s32 $0x20  }
0xa5: {  	[tilespmem:s10], [sflag:$0x4] =	stream.linear.gather @!p0 [hbm4b:s8+s9], $0x190, $0x38;
	[tilespmem:$0x1A640] =	vst v63  }
0xa6: {  	v0 =	vld [tilespmem:s21+$0x16450]  }
0xa7: {  	v1 =	vld [tilespmem:s21+$0x13220]  }
0xa8: {  	v3 =	vld [tilespmem:s21+$0x13230]  }
0xa9: {  	v12 =	vld [tilespmem:s21+$0x13240]  }
0xaa: {  	v10 =	vld [tilespmem:s21+$0x13250]  }
0xab: {  	v6 =	vimm.f32 $0.0e+00;
	v2 =	vimm.f32 $0.0e+00;
	v5 =	vld [tilespmem:s21+$0x16420]  }
0xac: {  	v7 =	vimm.f32 $0.0e+00;
	v8 =	vld [tilespmem:s21+$0x16430];
	v0 =	vadd.f32 v0, v2;
	v9 =	vadd.f32 v1, v2  }
0xad: {  	s23 =	simm.s32 $0x60;
	s8 =	simm.s32 $0x280;
	v11 =	vld [tilespmem:s21+$0x16440];
	v4 =	vadd.f32 v3, v2;
	v3 =	vimm.f32 $0.0e+00;
	v1 =	vimm.f32 $0.0e+00  }
.LBB2_9:
0xae: {  	p0 =	sne.s32 s8, $0xC780;
	v13 =	vld [tilespmem:s23+$0x16450];
	v2 =	vadd.f32 v12, v2  }
0xaf: {  	v14 =	vld [tilespmem:s23+$0x13220];
	v6 =	vadd.f32 v10, v6  }
0xb0: {  	v15 =	vld [tilespmem:s23+$0x13230];
	v7 =	vadd.f32 v5, v7  }
.Ltmp3:
0xb1: {  	v12 =	vld [tilespmem:s23+$0x13240];
	v3 =	vadd.f32 v8, v3;
	(pc) =	sbr.rel @p0 .LBB2_9-.Ltmp3, $4  }
0xb2: {  	v10 =	vld [tilespmem:s23+$0x13250];
	v1 =	vadd.f32 v11, v1  }
0xb3: {  	v5 =	vld [tilespmem:s23+$0x16420];
	v0 =	vadd.f32 v13, v0  }
0xb4: {  	v9 =	vadd.f32 v14, v9;
	v8 =	vld [tilespmem:s23+$0x16430]  }
0xb5: {  	v4 =	vadd.f32 v15, v4;
	v11 =	vld [tilespmem:s23+$0x16440];
	s23 =	sshra.s32 s8, $0x2;
	s8 =	sadd.s32 $0x100, s8  }
0xb6: {  	v14 =	vld [tilespmem:s23+$0x13220]  }
0xb7: {  	v15 =	vld [tilespmem:s23+$0x13230]  }
0xb8: {  	v16 =	vld [tilespmem:s23+$0x13240]  }
0xb9: {  	v17 =	vld [tilespmem:s23+$0x13250]  }
0xba: {  	v18 =	vld [tilespmem:s23+$0x16420]  }
0xbb: {  	v2 =	vadd.f32 v12, v2;
	v60 =	vld [tilespmem:s23+$0x16430];
	s8 =	sand.u32 $0x1C, s18;
	v9 =	vadd.f32 v14, v9  }
0xbc: {  	v13 =	vld [tilespmem:s23+$0x16450];
	v6 =	vadd.f32 v10, v6;
	s9 =	sshll.u32 s8, $0x7;
	v4 =	vadd.f32 v15, v4  }
0xbd: {  	v61 =	vld [tilespmem:s23+$0x16440];
	v5 =	vadd.f32 v5, v7;
	v2 =	vadd.f32 v16, v2;
	[tilespmem:s9+$0x197C0] =	vst v9  }
0xbe: {  	v3 =	vadd.f32 v8, v3;
	v6 =	vadd.f32 v17, v6;
	[tilespmem:s9+$0x197D0] =	vst v4  }
0xbf: {  	p0 =	sne.s32 s8, $0x1C;
	v62 =	vadd.f32 v18, v5;
	[tilespmem:s9+$0x197E0] =	vst v2  }
0xc0: {  	s8 =	sadd.s32 @!p0 s6, s20;
	v1 =	vadd.f32 v11, v1;
	v63 =	vadd.f32 v60, v3;
	[tilespmem:s9+$0x197F0] =	vst v6  }
0xc1: {  	s8 =	sshll.u32 @!p0 s8, $0x3;
	v0 =	vadd.f32 v13, v0;
	[tilespmem:s9+$0x19800] =	vst v62  }
0xc2: {  	s0 =	sadd.s32 $0x1, s0;
	s8 =	sadd.s32 @!p0 $0xFFFFFE40, s8;
	v1 =	vadd.f32 v61, v1;
	[tilespmem:s9+$0x19810] =	vst v63  }
0xc3: {  	p1 =	sne.s32 s0, $0x40;
	s8 =	sand.u32 @!p0 $0x1FFFFE00, s8;
	[tilespmem:s9+$0x19830] =	vst v0  }
0xc4: {  	s10 =	simm.s32 @!p0 $0x19640;
	s8 =	sadd.s32 @!p0 s3, s8;
	[tilespmem:s9+$0x19820] =	vst v1;
	s9 =	simm.s32 @!p0 $0x0  }
0xc5: {  	[hbm4b:s8+s9] =	stream.linear.scatter @!p0 [tilespmem:s10], [sflag:$0x9], $0x1000, $0x38;
	[tilespmem:$0x1A640] =	vst v63  }
.Ltmp4:
0xc6: {  	_ = 	snop;
	(pc) =	sbr.rel @p1 .LBB2_2-.Ltmp4, $4  }
0xc7: {  	s8 =	simm.s32 @!p0 $0x9  }
0xc8: {  	_ =	swait.ge @!p0 [sflag:s8], $0x1000  }
0xc9: {  	[sflag:s8] =	ssyncset.done @!p0 $0x0  }
0xca: {  	[sflag:s8] =	ssyncadd.s32 @!p0 $0xFFFFF000  }
0xcb: {  	s1 =	sadd.s32 $0x1, s1  }
0xcc: {  	p0 =	sne.s32 s1, s15  }
.Ltmp5:
0xcd: {  	_ = 	snop;
	(pc) =	sbr.rel @p0 .LBB2_1-.Ltmp5, $1  }
0xce: {  	_ =	sdelay $0x3  }
0xcf: {  	_ =	sfence.sel $0x180000  }
0xd0: {  	[bflag:$0x0] =	sbarrier.arrive $0xFFFF  }
0xd1: {  	_ =	strace $0x90000047  }
0xd2: {  	s0 =	stileid.u32;
	[bflag:$0x2] =	sbarrier.arrive $0xFFFF  }
0xd3: {  	p0 =	sne.s32 s0, $0x0;
	s0 =	rddreg [dreg:$0x3]  }
0xd4: {  	s0 =	sadd.s32 @!p0 $0x100000, s0  }
0xd5: {  	[sflag:s0] =	ssyncadd.tile.s32 @!p0 $0x1;
	_ =	shalt  }
.Lfunc_end2:
_tile_overlayer_lowered:
.L_overlay_start_2:
0xd6: {  	(tag) =	ssettag $0x2  }
0xd7: {  	s0 =	rddreg [dreg:$0x0];
	s2 =	stileid.u32  }
0xd8: {  	s1 =	rddreg [dreg:$0x1];
	p0 =	sne.s32 s2, $0x0  }
0xd9: {  	s3 =	rddreg [dreg:$0x2];
	[bflag:$0x3] =	sbarrier.arrive $0xFFFF;
	s2 =	simm.s32 @!p0 $0x1C09  }
0xda: {  	[timem:s3], [sflag:s2] =	dma.local @!p0 [hbm:s0], s1  }
0xdb: {  	s0 =	simm.s32 @!p0 $0x9  }
0xdc: {  	_ =	swait.ge @!p0 [sflag:s0], s1  }
0xdd: {  	s1 =	ssub.s32 @!p0 $0x0, s1;
	[sflag:s0] =	ssyncset.done @!p0 $0x0  }
0xde: {  	[sflag:s0] =	ssyncadd.s32 @!p0 s1  }
0xdf: {  	[bflag:$0x3] =	sbarrier.arrive $0xFFFF  }
0xe0: {  	_ =	shalt  }

</sc_bundles>
